<compile_context>
chip_gen: v7x
topology: tpu7x:2x2x1
jax: 0.10.2.dev20260603
libtpu: 0.0.44.dev20260713+nightly
codegen_flags: <defaults>
</compile_context>

<pallas_src>
import functools

import jax
import jax.numpy as jnp
from jax import lax
from jax.experimental import pallas as pl
from jax.experimental.pallas import tpu as pltpu
from jax.experimental.pallas import tpu_sc as plsc

N_NODES = 10000
N_EDGES = 320000
D = 128

NC = 2
NS = 16
NW = NC * NS

EDGES_PER_TILE = N_EDGES // NW
CHUNK = 40
G_PIPE = 4
NCHUNK = 250
EDGES_PER_TILE_P = NCHUNK * CHUNK
N_PAD = 10112
ROWS_PER_TILE = N_PAD // NS
PAD_ROW = N_NODES


def _sc_aggregate(x, edge_index, zeros):
    mesh = plsc.VectorSubcoreMesh(core_axis_name="c", subcore_axis_name="s",
                                  num_cores=NC, num_subcores=NS)

    G = G_PIPE
    scratch = (
        [pltpu.VMEM((CHUNK,), jnp.int32)] * (2 * G)
        + [pltpu.VMEM((CHUNK, D), jnp.float32)] * (2 * G)
        + [pltpu.VMEM_SHARED((N_PAD, D), jnp.float32)]
        + [pltpu.SemaphoreType.DMA] * (6 * G))

    @functools.partial(
        pl.kernel,
        out_type=jax.ShapeDtypeStruct((NC, N_PAD, D), jnp.float32),
        mesh=mesh,
        scratch_types=scratch,
    )
    def agg_kernel(x_hbm, s_hbm, r_hbm, zeros_hbm, out_hbm, *sc):
        cid = lax.axis_index("c")
        sid = lax.axis_index("s")
        wid = cid * NS + sid
        si, ri = sc[0:G], sc[G:2 * G]
        rows_a, rows_b = sc[2 * G:3 * G], sc[3 * G:4 * G]
        acc_sh = sc[4 * G]
        sems = sc[4 * G + 1:]
        gsem_a, gsem_b = sems[0:G], sems[G:2 * G]
        isem, rsem = sems[2 * G:3 * G], sems[3 * G:4 * G]
        ssem_a, ssem_b = sems[4 * G:5 * G], sems[5 * G:6 * G]
        cbase = wid * NCHUNK

        rbase = sid * ROWS_PER_TILE
        pltpu.sync_copy(zeros_hbm.at[pl.ds(rbase, ROWS_PER_TILE)],
                        acc_sh.at[pl.ds(rbase, ROWS_PER_TILE)])
        plsc.subcore_barrier()

        def group(base_chunk, n_chunks):
            idescs = []
            for j in range(n_chunks):
                off = base_chunk * CHUNK + j * CHUNK
                idescs.append(pltpu.async_copy(
                    s_hbm.at[pl.ds(off, CHUNK)], si[j], isem[j]))
                idescs.append(pltpu.async_copy(
                    r_hbm.at[pl.ds(off, CHUNK)], ri[j], rsem[j]))
            gdescs = []
            for j in range(n_chunks):
                idescs[2 * j].wait()
                idescs[2 * j + 1].wait()
                gdescs.append(pltpu.async_copy(
                    x_hbm.at[si[j]], rows_a[j], gsem_a[j]))
                gdescs.append(pltpu.async_copy(
                    x_hbm.at[ri[j]], rows_b[j], gsem_b[j]))
            sdescs = []
            for j in range(n_chunks):
                gdescs[2 * j].wait()
                sdescs.append(pltpu.async_copy(
                    rows_a[j], acc_sh.at[ri[j]], ssem_a[j], add=True))
                gdescs[2 * j + 1].wait()
                sdescs.append(pltpu.async_copy(
                    rows_b[j], acc_sh.at[si[j]], ssem_b[j], add=True))
            for d in sdescs:
                d.wait()

        @pl.loop(0, NCHUNK // G)
        def _(g):
            group(cbase + G * g, G)

        if NCHUNK % G:
            group(cbase + NCHUNK - NCHUNK % G, NCHUNK % G)

        plsc.subcore_barrier()
        pltpu.sync_copy(acc_sh.at[pl.ds(rbase, ROWS_PER_TILE)],
                        out_hbm.at[cid, pl.ds(rbase, ROWS_PER_TILE)])

    if EDGES_PER_TILE_P == EDGES_PER_TILE:
        return agg_kernel(x, edge_index[0], edge_index[1], zeros)
    npad = EDGES_PER_TILE_P - EDGES_PER_TILE
    s_p = jnp.pad(edge_index[0].reshape(NW, EDGES_PER_TILE),
                  ((0, 0), (0, npad))).reshape(-1)
    pad_rows = PAD_ROW + (jnp.arange(npad, dtype=jnp.int32) % (N_PAD - N_NODES))
    r_p = jnp.concatenate(
        [edge_index[1].reshape(NW, EDGES_PER_TILE),
         jnp.broadcast_to(pad_rows, (NW, npad))], axis=1).reshape(-1)
    x_p = jnp.pad(x, ((0, N_PAD - N_NODES), (0, 0)))
    return agg_kernel(x_p, s_p, r_p, zeros)


BLK = 1000


def _gelu_exact(v):
    return 0.5 * v * (1.0 + lax.erf(v * 0.7071067811865476))


def _mlp_body(p_ref, w1_ref, b1_ref, w2_ref, b2_ref, w3_ref, b3_ref,
              g_ref, bt_ref, o_ref):
    agg = p_ref[0] + p_ref[1]
    h = jnp.dot(agg, w1_ref[:], preferred_element_type=jnp.float32) + b1_ref[:]
    h = _gelu_exact(h)
    h = jnp.dot(h, w2_ref[:], preferred_element_type=jnp.float32) + b2_ref[:]
    h = _gelu_exact(h)
    o = jnp.dot(h, w3_ref[:], preferred_element_type=jnp.float32) + b3_ref[:]
    mu = jnp.mean(o, axis=-1, keepdims=True)
    var = jnp.mean((o - mu) ** 2, axis=-1, keepdims=True)
    o_ref[:] = (o - mu) / jnp.sqrt(var + 1e-5) * g_ref[:] + bt_ref[:]


def _tc_mlp(parts, W1, b1, W2, b2, W3, b3, gamma, beta):
    vec = pl.BlockSpec((1, D), lambda i: (0, 0))
    mat = pl.BlockSpec((D, D), lambda i: (0, 0))
    return pl.pallas_call(
        _mlp_body,
        grid=(N_NODES // BLK,),
        in_specs=[pl.BlockSpec((NC, BLK, D), lambda i: (0, i, 0)),
                  mat, vec, mat, vec, mat, vec, vec, vec],
        out_specs=pl.BlockSpec((BLK, D), lambda i: (i, 0)),
        out_shape=jax.ShapeDtypeStruct((N_NODES, D), jnp.float32),
    )(parts, W1, b1.reshape(1, D), W2, b2.reshape(1, D),
      W3, b3.reshape(1, D), gamma.reshape(1, D), beta.reshape(1, D))


def kernel(x, edge_index, W1, b1, W2, b2, W3, b3, gamma, beta):
    ei = edge_index.astype(jnp.int32)
    zeros = jnp.zeros((N_PAD, D), jnp.float32)
    parts = _sc_aggregate(x, ei, zeros)
    return _tc_mlp(parts, W1, b1, W2, b2, W3, b3, gamma, beta)

# --- scband reference (transcript-rebuilt; emitter-appended) ---
"""Pipeline reference for scband-node-to-node-90400471646657 (READ-ONLY COPY).

The authoritative reference and input builder live on the scoring server;
editing this copy changes nothing except your own understanding.
"""

import jax, jax.numpy as jnp
import numpy as np

N_NODES = 10000
N_EDGES = 320000
D_IN = 128
D_HID = 128
D_OUT = 128


def setup_inputs(seed: int = 0) -> dict:
    key = jax.random.key(seed)
    ks = jax.random.split(key, 10)
    x = jax.random.normal(ks[0], (N_NODES, D_IN), dtype=jnp.float32)
    edge_index = jax.random.randint(ks[1], (2, N_EDGES), 0, N_NODES, dtype=jnp.int64 if jax.config.jax_enable_x64 else jnp.int32)
    s_in = 1.0 / np.sqrt(D_IN)
    s_hid = 1.0 / np.sqrt(D_HID)
    W1 = jax.random.uniform(ks[2], (D_IN, D_HID), dtype=jnp.float32, minval=-s_in, maxval=s_in)
    b1 = jax.random.uniform(ks[3], (D_HID,), dtype=jnp.float32, minval=-s_in, maxval=s_in)
    W2 = jax.random.uniform(ks[4], (D_HID, D_HID), dtype=jnp.float32, minval=-s_hid, maxval=s_hid)
    b2 = jax.random.uniform(ks[5], (D_HID,), dtype=jnp.float32, minval=-s_hid, maxval=s_hid)
    W3 = jax.random.uniform(ks[6], (D_HID, D_OUT), dtype=jnp.float32, minval=-s_hid, maxval=s_hid)
    b3 = jax.random.uniform(ks[7], (D_OUT,), dtype=jnp.float32, minval=-s_hid, maxval=s_hid)
    gamma = jnp.ones((D_OUT,), dtype=jnp.float32)
    beta = jnp.zeros((D_OUT,), dtype=jnp.float32)
    return {"x": x, "edge_index": edge_index, "W1": W1, "b1": b1, "W2": W2, "b2": b2, "W3": W3, "b3": b3, "gamma": gamma, "beta": beta}


def _layernorm(o, gamma, beta, eps=1e-5):
    mu = jnp.mean(o, axis=-1, keepdims=True)
    var = jnp.mean((o - mu) ** 2, axis=-1, keepdims=True)
    return (o - mu) / jnp.sqrt(var + eps) * gamma + beta


def reference(x, edge_index, W1, b1, W2, b2, W3, b3, gamma, beta):
    senders = edge_index[0]
    receivers = edge_index[1]
    two_way_senders = jnp.concatenate([senders, receivers], axis=0)
    two_way_receivers = jnp.concatenate([receivers, senders], axis=0)
    gathered = jnp.take(x, two_way_senders, axis=0)
    agg_x = jax.ops.segment_sum(gathered, two_way_receivers, num_segments=x.shape[0])
    h = jax.nn.gelu(agg_x @ W1 + b1, approximate=False)
    h = jax.nn.gelu(h @ W2 + b2, approximate=False)
    o = h @ W3 + b3
    return _layernorm(o, gamma, beta)

if __name__ == "__main__":
    import jax
    _d = setup_inputs()
    print(jax.jit(kernel)(*tuple(_d.values())))

</pallas_src>

<mosaic_0001>
#map = affine_map<(d0, d1) -> (0, 0)>
#map1 = affine_map<(d0, d1) -> (0)>
#map2 = affine_map<(d0, d1) -> (0, 0, 0)>
module attributes {stable_mosaic.version = 14 : i64} {
  func.func @agg_kernel(%arg0: i32, %arg1: i32, %arg2: memref<10000x128xf32, #tpu.memory_space<hbm>>, %arg3: memref<320000xi32, #tpu.memory_space<hbm>>, %arg4: memref<320000xi32, #tpu.memory_space<hbm>>, %arg5: memref<10112x128xf32, #tpu.memory_space<hbm>>, %arg6: memref<2x10112x128xf32, #tpu.memory_space<hbm>>, %arg7: memref<40xi32, #tpu.memory_space<vmem>>, %arg8: memref<40xi32, #tpu.memory_space<vmem>>, %arg9: memref<40xi32, #tpu.memory_space<vmem>>, %arg10: memref<40xi32, #tpu.memory_space<vmem>>, %arg11: memref<40xi32, #tpu.memory_space<vmem>>, %arg12: memref<40xi32, #tpu.memory_space<vmem>>, %arg13: memref<40xi32, #tpu.memory_space<vmem>>, %arg14: memref<40xi32, #tpu.memory_space<vmem>>, %arg15: memref<40x128xf32, #tpu.memory_space<vmem>>, %arg16: memref<40x128xf32, #tpu.memory_space<vmem>>, %arg17: memref<40x128xf32, #tpu.memory_space<vmem>>, %arg18: memref<40x128xf32, #tpu.memory_space<vmem>>, %arg19: memref<40x128xf32, #tpu.memory_space<vmem>>, %arg20: memref<40x128xf32, #tpu.memory_space<vmem>>, %arg21: memref<40x128xf32, #tpu.memory_space<vmem>>, %arg22: memref<40x128xf32, #tpu.memory_space<vmem>>, %arg23: memref<10112x128xf32, #tpu.memory_space<vmem_shared>>, %arg24: memref<!tpu.dma_semaphore, #tpu.memory_space<semaphore_mem>>, %arg25: memref<!tpu.dma_semaphore, #tpu.memory_space<semaphore_mem>>, %arg26: memref<!tpu.dma_semaphore, #tpu.memory_space<semaphore_mem>>, %arg27: memref<!tpu.dma_semaphore, #tpu.memory_space<semaphore_mem>>, %arg28: memref<!tpu.dma_semaphore, #tpu.memory_space<semaphore_mem>>, %arg29: memref<!tpu.dma_semaphore, #tpu.memory_space<semaphore_mem>>, %arg30: memref<!tpu.dma_semaphore, #tpu.memory_space<semaphore_mem>>, %arg31: memref<!tpu.dma_semaphore, #tpu.memory_space<semaphore_mem>>, %arg32: memref<!tpu.dma_semaphore, #tpu.memory_space<semaphore_mem>>, %arg33: memref<!tpu.dma_semaphore, #tpu.memory_space<semaphore_mem>>, %arg34: memref<!tpu.dma_semaphore, #tpu.memory_space<semaphore_mem>>, %arg35: memref<!tpu.dma_semaphore, #tpu.memory_space<semaphore_mem>>, %arg36: memref<!tpu.dma_semaphore, #tpu.memory_space<semaphore_mem>>, %arg37: memref<!tpu.dma_semaphore, #tpu.memory_space<semaphore_mem>>, %arg38: memref<!tpu.dma_semaphore, #tpu.memory_space<semaphore_mem>>, %arg39: memref<!tpu.dma_semaphore, #tpu.memory_space<semaphore_mem>>, %arg40: memref<!tpu.dma_semaphore, #tpu.memory_space<semaphore_mem>>, %arg41: memref<!tpu.dma_semaphore, #tpu.memory_space<semaphore_mem>>, %arg42: memref<!tpu.dma_semaphore, #tpu.memory_space<semaphore_mem>>, %arg43: memref<!tpu.dma_semaphore, #tpu.memory_space<semaphore_mem>>, %arg44: memref<!tpu.dma_semaphore, #tpu.memory_space<semaphore_mem>>, %arg45: memref<!tpu.dma_semaphore, #tpu.memory_space<semaphore_mem>>, %arg46: memref<!tpu.dma_semaphore, #tpu.memory_space<semaphore_mem>>, %arg47: memref<!tpu.dma_semaphore, #tpu.memory_space<semaphore_mem>>) attributes {dimension_semantics = [#tpu.dimension_semantics<core_parallel>, #tpu.dimension_semantics<subcore_parallel>], iteration_bounds = array<i64: 2, 16>, scalar_prefetch = 0 : i64, scratch_operands = 41 : i64, tpu.core_type = #tpu.core_type<sc_vector_subcore>, window_params = [{transform_indices = #map}, {transform_indices = #map1}, {transform_indices = #map1}, {transform_indices = #map}, {transform_indices = #map2}]} {
    %mul3A = arith.constant 16 : i32
    %mul3A_0 = arith.muli %arg0, %mul3A : i32
    %add3A = arith.addi %mul3A_0, %arg1 : i32
    %mul3A_1 = arith.constant 250 : i32
    %mul3A_2 = arith.muli %add3A, %mul3A_1 : i32
    %mul3A_3 = arith.constant 632 : i32
    %mul3A_4 = arith.muli %arg1, %mul3A_3 : i32
    "tpu.region"() ({
      %run_scoped3A = tpu.sem_alloc : memref<!tpu.dma_semaphore, #tpu.memory_space<semaphore_mem>>
      %dma_start3A_83 = arith.constant 0 : i32
      %dma_start3A_84 = tpu.memref_slice %arg23[%mul3A_4, %dma_start3A_83] : memref<10112x128xf32, #tpu.memory_space<vmem_shared>> -> memref<632x128xf32, #tpu.memory_space<vmem_shared>>
      %dma_start3A_85 = arith.constant 0 : i32
      %dma_start3A_86 = tpu.memref_slice %arg5[%mul3A_4, %dma_start3A_85] : memref<10112x128xf32, #tpu.memory_space<hbm>> -> memref<632x128xf32, #tpu.memory_space<hbm>>
      tpu.enqueue_dma source(%dma_start3A_86 : memref<632x128xf32, #tpu.memory_space<hbm>>) target(%dma_start3A_84 : memref<632x128xf32, #tpu.memory_space<vmem_shared>>) target_semaphore(%run_scoped3A : memref<!tpu.dma_semaphore, #tpu.memory_space<semaphore_mem>>)
      %dma_wait3A_87 = arith.constant 0 : i32
      %dma_wait3A_88 = tpu.memref_slice %arg23[%mul3A_4, %dma_wait3A_87] : memref<10112x128xf32, #tpu.memory_space<vmem_shared>> -> memref<632x128xf32, #tpu.memory_space<vmem_shared>>
      %dma_wait3A_89 = arith.constant 0 : i32
      %dma_wait3A_90 = tpu.memref_slice %arg5[%mul3A_4, %dma_wait3A_89] : memref<10112x128xf32, #tpu.memory_space<hbm>> -> memref<632x128xf32, #tpu.memory_space<hbm>>
      tpu.wait_dma2 semaphore(%run_scoped3A : memref<!tpu.dma_semaphore, #tpu.memory_space<semaphore_mem>>) src(%dma_wait3A_90 : memref<632x128xf32, #tpu.memory_space<hbm>>) dst(%dma_wait3A_88 : memref<632x128xf32, #tpu.memory_space<vmem_shared>>)
      tpu.yield
    }) : () -> ()
    %barrier3A = arith.constant 0 : index
    tpu.barrier barrier_id(%barrier3A)
    %scan3A = arith.constant 0 : i32
    %scan3A_5 = arith.constant 62 : i32
    %scan3A_6 = arith.addi %scan3A, %scan3A_5 : i32
    %scan3A_7 = arith.constant 1 : i32
    scf.for %scan3A_83 = %scan3A to %scan3A_6 step %scan3A_7  : i32 {
      %mul3A_84 = arith.constant 1 : i32
      %mul3A_85 = arith.muli %scan3A_83, %mul3A_84 : i32
      %add3A_86 = arith.constant 0 : i32
      %add3A_87 = arith.addi %add3A_86, %mul3A_85 : i32
      %mul3A_88 = arith.constant 4 : i32
      %mul3A_89 = arith.muli %mul3A_88, %add3A_87 : i32
      %add3A_90 = arith.addi %mul3A_2, %mul3A_89 : i32
      %mul3A_91 = arith.constant 40 : i32
      %mul3A_92 = arith.muli %add3A_90, %mul3A_91 : i32
      %add3A_93 = arith.constant 0 : i32
      %add3A_94 = arith.addi %mul3A_92, %add3A_93 : i32
      %dma_start3A_95 = tpu.memref_slice %arg3[%add3A_94] : memref<320000xi32, #tpu.memory_space<hbm>> -> memref<40xi32, #tpu.memory_space<hbm>>
      %dma_start3A_96 = tpu.memref_slice %arg3[%add3A_94] : memref<320000xi32, #tpu.memory_space<hbm>> -> memref<40xi32, #tpu.memory_space<hbm>>
      tpu.enqueue_dma source(%dma_start3A_96 : memref<40xi32, #tpu.memory_space<hbm>>) target(%arg7 : memref<40xi32, #tpu.memory_space<vmem>>) target_semaphore(%arg32 : memref<!tpu.dma_semaphore, #tpu.memory_space<semaphore_mem>>)
      %dma_start3A_97 = tpu.memref_slice %arg4[%add3A_94] : memref<320000xi32, #tpu.memory_space<hbm>> -> memref<40xi32, #tpu.memory_space<hbm>>
      %dma_start3A_98 = tpu.memref_slice %arg4[%add3A_94] : memref<320000xi32, #tpu.memory_space<hbm>> -> memref<40xi32, #tpu.memory_space<hbm>>
      tpu.enqueue_dma source(%dma_start3A_98 : memref<40xi32, #tpu.memory_space<hbm>>) target(%arg11 : memref<40xi32, #tpu.memory_space<vmem>>) target_semaphore(%arg36 : memref<!tpu.dma_semaphore, #tpu.memory_space<semaphore_mem>>)
      %mul3A_99 = arith.constant 40 : i32
      %mul3A_100 = arith.muli %add3A_90, %mul3A_99 : i32
      %add3A_101 = arith.constant 40 : i32
      %add3A_102 = arith.addi %mul3A_100, %add3A_101 : i32
      %dma_start3A_103 = tpu.memref_slice %arg3[%add3A_102] : memref<320000xi32, #tpu.memory_space<hbm>> -> memref<40xi32, #tpu.memory_space<hbm>>
      %dma_start3A_104 = tpu.memref_slice %arg3[%add3A_102] : memref<320000xi32, #tpu.memory_space<hbm>> -> memref<40xi32, #tpu.memory_space<hbm>>
      tpu.enqueue_dma source(%dma_start3A_104 : memref<40xi32, #tpu.memory_space<hbm>>) target(%arg8 : memref<40xi32, #tpu.memory_space<vmem>>) target_semaphore(%arg33 : memref<!tpu.dma_semaphore, #tpu.memory_space<semaphore_mem>>)
      %dma_start3A_105 = tpu.memref_slice %arg4[%add3A_102] : memref<320000xi32, #tpu.memory_space<hbm>> -> memref<40xi32, #tpu.memory_space<hbm>>
      %dma_start3A_106 = tpu.memref_slice %arg4[%add3A_102] : memref<320000xi32, #tpu.memory_space<hbm>> -> memref<40xi32, #tpu.memory_space<hbm>>
      tpu.enqueue_dma source(%dma_start3A_106 : memref<40xi32, #tpu.memory_space<hbm>>) target(%arg12 : memref<40xi32, #tpu.memory_space<vmem>>) target_semaphore(%arg37 : memref<!tpu.dma_semaphore, #tpu.memory_space<semaphore_mem>>)
      %mul3A_107 = arith.constant 40 : i32
      %mul3A_108 = arith.muli %add3A_90, %mul3A_107 : i32
      %add3A_109 = arith.constant 80 : i32
      %add3A_110 = arith.addi %mul3A_108, %add3A_109 : i32
      %dma_start3A_111 = tpu.memref_slice %arg3[%add3A_110] : memref<320000xi32, #tpu.memory_space<hbm>> -> memref<40xi32, #tpu.memory_space<hbm>>
      %dma_start3A_112 = tpu.memref_slice %arg3[%add3A_110] : memref<320000xi32, #tpu.memory_space<hbm>> -> memref<40xi32, #tpu.memory_space<hbm>>
      tpu.enqueue_dma source(%dma_start3A_112 : memref<40xi32, #tpu.memory_space<hbm>>) target(%arg9 : memref<40xi32, #tpu.memory_space<vmem>>) target_semaphore(%arg34 : memref<!tpu.dma_semaphore, #tpu.memory_space<semaphore_mem>>)
      %dma_start3A_113 = tpu.memref_slice %arg4[%add3A_110] : memref<320000xi32, #tpu.memory_space<hbm>> -> memref<40xi32, #tpu.memory_space<hbm>>
      %dma_start3A_114 = tpu.memref_slice %arg4[%add3A_110] : memref<320000xi32, #tpu.memory_space<hbm>> -> memref<40xi32, #tpu.memory_space<hbm>>
      tpu.enqueue_dma source(%dma_start3A_114 : memref<40xi32, #tpu.memory_space<hbm>>) target(%arg13 : memref<40xi32, #tpu.memory_space<vmem>>) target_semaphore(%arg38 : memref<!tpu.dma_semaphore, #tpu.memory_space<semaphore_mem>>)
      %mul3A_115 = arith.constant 40 : i32
      %mul3A_116 = arith.muli %add3A_90, %mul3A_115 : i32
      %add3A_117 = arith.constant 120 : i32
      %add3A_118 = arith.addi %mul3A_116, %add3A_117 : i32
      %dma_start3A_119 = tpu.memref_slice %arg3[%add3A_118] : memref<320000xi32, #tpu.memory_space<hbm>> -> memref<40xi32, #tpu.memory_space<hbm>>
      %dma_start3A_120 = tpu.memref_slice %arg3[%add3A_118] : memref<320000xi32, #tpu.memory_space<hbm>> -> memref<40xi32, #tpu.memory_space<hbm>>
      tpu.enqueue_dma source(%dma_start3A_120 : memref<40xi32, #tpu.memory_space<hbm>>) target(%arg10 : memref<40xi32, #tpu.memory_space<vmem>>) target_semaphore(%arg35 : memref<!tpu.dma_semaphore, #tpu.memory_space<semaphore_mem>>)
      %dma_start3A_121 = tpu.memref_slice %arg4[%add3A_118] : memref<320000xi32, #tpu.memory_space<hbm>> -> memref<40xi32, #tpu.memory_space<hbm>>
      %dma_start3A_122 = tpu.memref_slice %arg4[%add3A_118] : memref<320000xi32, #tpu.memory_space<hbm>> -> memref<40xi32, #tpu.memory_space<hbm>>
      tpu.enqueue_dma source(%dma_start3A_122 : memref<40xi32, #tpu.memory_space<hbm>>) target(%arg14 : memref<40xi32, #tpu.memory_space<vmem>>) target_semaphore(%arg39 : memref<!tpu.dma_semaphore, #tpu.memory_space<semaphore_mem>>)
      %dma_wait3A_123 = tpu.memref_slice %arg3[%add3A_94] : memref<320000xi32, #tpu.memory_space<hbm>> -> memref<40xi32, #tpu.memory_space<hbm>>
      %dma_wait3A_124 = tpu.memref_slice %arg3[%add3A_94] : memref<320000xi32, #tpu.memory_space<hbm>> -> memref<40xi32, #tpu.memory_space<hbm>>
      tpu.wait_dma2 semaphore(%arg32 : memref<!tpu.dma_semaphore, #tpu.memory_space<semaphore_mem>>) src(%dma_wait3A_124 : memref<40xi32, #tpu.memory_space<hbm>>) dst(%arg7 : memref<40xi32, #tpu.memory_space<vmem>>)
      %dma_wait3A_125 = tpu.memref_slice %arg4[%add3A_94] : memref<320000xi32, #tpu.memory_space<hbm>> -> memref<40xi32, #tpu.memory_space<hbm>>
      %dma_wait3A_126 = tpu.memref_slice %arg4[%add3A_94] : memref<320000xi32, #tpu.memory_space<hbm>> -> memref<40xi32, #tpu.memory_space<hbm>>
      tpu.wait_dma2 semaphore(%arg36 : memref<!tpu.dma_semaphore, #tpu.memory_space<semaphore_mem>>) src(%dma_wait3A_126 : memref<40xi32, #tpu.memory_space<hbm>>) dst(%arg11 : memref<40xi32, #tpu.memory_space<vmem>>)
      %dma_start3A_127 = arith.constant 0 : i32
      %dma_start3A_128 = arith.constant 0 : i32
      %dma_start3A_129 = tpu.memref_slice %arg2[%dma_start3A_127, %dma_start3A_128] : memref<10000x128xf32, #tpu.memory_space<hbm>> -> memref<10000x128xf32, #tpu.memory_space<hbm>>
      tpu.enqueue_indirect_dma source(%dma_start3A_129 : memref<10000x128xf32, #tpu.memory_space<hbm>>) target(%arg15 : memref<40x128xf32, #tpu.memory_space<vmem>>) offsets(%arg7 : memref<40xi32, #tpu.memory_space<vmem>>) semaphore(%arg24 : memref<!tpu.dma_semaphore, #tpu.memory_space<semaphore_mem>>)
      %dma_start3A_130 = arith.constant 0 : i32
      %dma_start3A_131 = arith.constant 0 : i32
      %dma_start3A_132 = tpu.memref_slice %arg2[%dma_start3A_130, %dma_start3A_131] : memref<10000x128xf32, #tpu.memory_space<hbm>> -> memref<10000x128xf32, #tpu.memory_space<hbm>>
      tpu.enqueue_indirect_dma source(%dma_start3A_132 : memref<10000x128xf32, #tpu.memory_space<hbm>>) target(%arg19 : memref<40x128xf32, #tpu.memory_space<vmem>>) offsets(%arg11 : memref<40xi32, #tpu.memory_space<vmem>>) semaphore(%arg28 : memref<!tpu.dma_semaphore, #tpu.memory_space<semaphore_mem>>)
      %dma_wait3A_133 = tpu.memref_slice %arg3[%add3A_102] : memref<320000xi32, #tpu.memory_space<hbm>> -> memref<40xi32, #tpu.memory_space<hbm>>
      %dma_wait3A_134 = tpu.memref_slice %arg3[%add3A_102] : memref<320000xi32, #tpu.memory_space<hbm>> -> memref<40xi32, #tpu.memory_space<hbm>>
      tpu.wait_dma2 semaphore(%arg33 : memref<!tpu.dma_semaphore, #tpu.memory_space<semaphore_mem>>) src(%dma_wait3A_134 : memref<40xi32, #tpu.memory_space<hbm>>) dst(%arg8 : memref<40xi32, #tpu.memory_space<vmem>>)
      %dma_wait3A_135 = tpu.memref_slice %arg4[%add3A_102] : memref<320000xi32, #tpu.memory_space<hbm>> -> memref<40xi32, #tpu.memory_space<hbm>>
      %dma_wait3A_136 = tpu.memref_slice %arg4[%add3A_102] : memref<320000xi32, #tpu.memory_space<hbm>> -> memref<40xi32, #tpu.memory_space<hbm>>
      tpu.wait_dma2 semaphore(%arg37 : memref<!tpu.dma_semaphore, #tpu.memory_space<semaphore_mem>>) src(%dma_wait3A_136 : memref<40xi32, #tpu.memory_space<hbm>>) dst(%arg12 : memref<40xi32, #tpu.memory_space<vmem>>)
      %dma_start3A_137 = arith.constant 0 : i32
      %dma_start3A_138 = arith.constant 0 : i32
      %dma_start3A_139 = tpu.memref_slice %arg2[%dma_start3A_137, %dma_start3A_138] : memref<10000x128xf32, #tpu.memory_space<hbm>> -> memref<10000x128xf32, #tpu.memory_space<hbm>>
      tpu.enqueue_indirect_dma source(%dma_start3A_139 : memref<10000x128xf32, #tpu.memory_space<hbm>>) target(%arg16 : memref<40x128xf32, #tpu.memory_space<vmem>>) offsets(%arg8 : memref<40xi32, #tpu.memory_space<vmem>>) semaphore(%arg25 : memref<!tpu.dma_semaphore, #tpu.memory_space<semaphore_mem>>)
      %dma_start3A_140 = arith.constant 0 : i32
      %dma_start3A_141 = arith.constant 0 : i32
      %dma_start3A_142 = tpu.memref_slice %arg2[%dma_start3A_140, %dma_start3A_141] : memref<10000x128xf32, #tpu.memory_space<hbm>> -> memref<10000x128xf32, #tpu.memory_space<hbm>>
      tpu.enqueue_indirect_dma source(%dma_start3A_142 : memref<10000x128xf32, #tpu.memory_space<hbm>>) target(%arg20 : memref<40x128xf32, #tpu.memory_space<vmem>>) offsets(%arg12 : memref<40xi32, #tpu.memory_space<vmem>>) semaphore(%arg29 : memref<!tpu.dma_semaphore, #tpu.memory_space<semaphore_mem>>)
      %dma_wait3A_143 = tpu.memref_slice %arg3[%add3A_110] : memref<320000xi32, #tpu.memory_space<hbm>> -> memref<40xi32, #tpu.memory_space<hbm>>
      %dma_wait3A_144 = tpu.memref_slice %arg3[%add3A_110] : memref<320000xi32, #tpu.memory_space<hbm>> -> memref<40xi32, #tpu.memory_space<hbm>>
      tpu.wait_dma2 semaphore(%arg34 : memref<!tpu.dma_semaphore, #tpu.memory_space<semaphore_mem>>) src(%dma_wait3A_144 : memref<40xi32, #tpu.memory_space<hbm>>) dst(%arg9 : memref<40xi32, #tpu.memory_space<vmem>>)
      %dma_wait3A_145 = tpu.memref_slice %arg4[%add3A_110] : memref<320000xi32, #tpu.memory_space<hbm>> -> memref<40xi32, #tpu.memory_space<hbm>>
      %dma_wait3A_146 = tpu.memref_slice %arg4[%add3A_110] : memref<320000xi32, #tpu.memory_space<hbm>> -> memref<40xi32, #tpu.memory_space<hbm>>
      tpu.wait_dma2 semaphore(%arg38 : memref<!tpu.dma_semaphore, #tpu.memory_space<semaphore_mem>>) src(%dma_wait3A_146 : memref<40xi32, #tpu.memory_space<hbm>>) dst(%arg13 : memref<40xi32, #tpu.memory_space<vmem>>)
      %dma_start3A_147 = arith.constant 0 : i32
      %dma_start3A_148 = arith.constant 0 : i32
      %dma_start3A_149 = tpu.memref_slice %arg2[%dma_start3A_147, %dma_start3A_148] : memref<10000x128xf32, #tpu.memory_space<hbm>> -> memref<10000x128xf32, #tpu.memory_space<hbm>>
      tpu.enqueue_indirect_dma source(%dma_start3A_149 : memref<10000x128xf32, #tpu.memory_space<hbm>>) target(%arg17 : memref<40x128xf32, #tpu.memory_space<vmem>>) offsets(%arg9 : memref<40xi32, #tpu.memory_space<vmem>>) semaphore(%arg26 : memref<!tpu.dma_semaphore, #tpu.memory_space<semaphore_mem>>)
      %dma_start3A_150 = arith.constant 0 : i32
      %dma_start3A_151 = arith.constant 0 : i32
      %dma_start3A_152 = tpu.memref_slice %arg2[%dma_start3A_150, %dma_start3A_151] : memref<10000x128xf32, #tpu.memory_space<hbm>> -> memref<10000x128xf32, #tpu.memory_space<hbm>>
      tpu.enqueue_indirect_dma source(%dma_start3A_152 : memref<10000x128xf32, #tpu.memory_space<hbm>>) target(%arg21 : memref<40x128xf32, #tpu.memory_space<vmem>>) offsets(%arg13 : memref<40xi32, #tpu.memory_space<vmem>>) semaphore(%arg30 : memref<!tpu.dma_semaphore, #tpu.memory_space<semaphore_mem>>)
      %dma_wait3A_153 = tpu.memref_slice %arg3[%add3A_118] : memref<320000xi32, #tpu.memory_space<hbm>> -> memref<40xi32, #tpu.memory_space<hbm>>
      %dma_wait3A_154 = tpu.memref_slice %arg3[%add3A_118] : memref<320000xi32, #tpu.memory_space<hbm>> -> memref<40xi32, #tpu.memory_space<hbm>>
      tpu.wait_dma2 semaphore(%arg35 : memref<!tpu.dma_semaphore, #tpu.memory_space<semaphore_mem>>) src(%dma_wait3A_154 : memref<40xi32, #tpu.memory_space<hbm>>) dst(%arg10 : memref<40xi32, #tpu.memory_space<vmem>>)
      %dma_wait3A_155 = tpu.memref_slice %arg4[%add3A_118] : memref<320000xi32, #tpu.memory_space<hbm>> -> memref<40xi32, #tpu.memory_space<hbm>>
      %dma_wait3A_156 = tpu.memref_slice %arg4[%add3A_118] : memref<320000xi32, #tpu.memory_space<hbm>> -> memref<40xi32, #tpu.memory_space<hbm>>
      tpu.wait_dma2 semaphore(%arg39 : memref<!tpu.dma_semaphore, #tpu.memory_space<semaphore_mem>>) src(%dma_wait3A_156 : memref<40xi32, #tpu.memory_space<hbm>>) dst(%arg14 : memref<40xi32, #tpu.memory_space<vmem>>)
      %dma_start3A_157 = arith.constant 0 : i32
      %dma_start3A_158 = arith.constant 0 : i32
      %dma_start3A_159 = tpu.memref_slice %arg2[%dma_start3A_157, %dma_start3A_158] : memref<10000x128xf32, #tpu.memory_space<hbm>> -> memref<10000x128xf32, #tpu.memory_space<hbm>>
      tpu.enqueue_indirect_dma source(%dma_start3A_159 : memref<10000x128xf32, #tpu.memory_space<hbm>>) target(%arg18 : memref<40x128xf32, #tpu.memory_space<vmem>>) offsets(%arg10 : memref<40xi32, #tpu.memory_space<vmem>>) semaphore(%arg27 : memref<!tpu.dma_semaphore, #tpu.memory_space<semaphore_mem>>)
      %dma_start3A_160 = arith.constant 0 : i32
      %dma_start3A_161 = arith.constant 0 : i32
      %dma_start3A_162 = tpu.memref_slice %arg2[%dma_start3A_160, %dma_start3A_161] : memref<10000x128xf32, #tpu.memory_space<hbm>> -> memref<10000x128xf32, #tpu.memory_space<hbm>>
      tpu.enqueue_indirect_dma source(%dma_start3A_162 : memref<10000x128xf32, #tpu.memory_space<hbm>>) target(%arg22 : memref<40x128xf32, #tpu.memory_space<vmem>>) offsets(%arg14 : memref<40xi32, #tpu.memory_space<vmem>>) semaphore(%arg31 : memref<!tpu.dma_semaphore, #tpu.memory_space<semaphore_mem>>)
      %dma_wait3A_163 = arith.constant 0 : i32
      %dma_wait3A_164 = arith.constant 0 : i32
      %dma_wait3A_165 = tpu.memref_slice %arg2[%dma_wait3A_163, %dma_wait3A_164] : memref<10000x128xf32, #tpu.memory_space<hbm>> -> memref<10000x128xf32, #tpu.memory_space<hbm>>
      tpu.wait_indirect_dma semaphore(%arg24 : memref<!tpu.dma_semaphore, #tpu.memory_space<semaphore_mem>>) src(%dma_wait3A_165 : memref<10000x128xf32, #tpu.memory_space<hbm>>) dst(%arg15 : memref<40x128xf32, #tpu.memory_space<vmem>>)
      %dma_start3A_166 = arith.constant 0 : i32
      %dma_start3A_167 = arith.constant 0 : i32
      %dma_start3A_168 = tpu.memref_slice %arg23[%dma_start3A_166, %dma_start3A_167] : memref<10112x128xf32, #tpu.memory_space<vmem_shared>> -> memref<10112x128xf32, #tpu.memory_space<vmem_shared>>
      tpu.enqueue_indirect_dma source(%arg15 : memref<40x128xf32, #tpu.memory_space<vmem>>) target(%dma_start3A_168 : memref<10112x128xf32, #tpu.memory_space<vmem_shared>>) offsets(%arg11 : memref<40xi32, #tpu.memory_space<vmem>>) semaphore(%arg40 : memref<!tpu.dma_semaphore, #tpu.memory_space<semaphore_mem>>) {add = true}
      %dma_wait3A_169 = arith.constant 0 : i32
      %dma_wait3A_170 = arith.constant 0 : i32
      %dma_wait3A_171 = tpu.memref_slice %arg2[%dma_wait3A_169, %dma_wait3A_170] : memref<10000x128xf32, #tpu.memory_space<hbm>> -> memref<10000x128xf32, #tpu.memory_space<hbm>>
      tpu.wait_indirect_dma semaphore(%arg28 : memref<!tpu.dma_semaphore, #tpu.memory_space<semaphore_mem>>) src(%dma_wait3A_171 : memref<10000x128xf32, #tpu.memory_space<hbm>>) dst(%arg19 : memref<40x128xf32, #tpu.memory_space<vmem>>)
      %dma_start3A_172 = arith.constant 0 : i32
      %dma_start3A_173 = arith.constant 0 : i32
      %dma_start3A_174 = tpu.memref_slice %arg23[%dma_start3A_172, %dma_start3A_173] : memref<10112x128xf32, #tpu.memory_space<vmem_shared>> -> memref<10112x128xf32, #tpu.memory_space<vmem_shared>>
      tpu.enqueue_indirect_dma source(%arg19 : memref<40x128xf32, #tpu.memory_space<vmem>>) target(%dma_start3A_174 : memref<10112x128xf32, #tpu.memory_space<vmem_shared>>) offsets(%arg7 : memref<40xi32, #tpu.memory_space<vmem>>) semaphore(%arg44 : memref<!tpu.dma_semaphore, #tpu.memory_space<semaphore_mem>>) {add = true}
      %dma_wait3A_175 = arith.constant 0 : i32
      %dma_wait3A_176 = arith.constant 0 : i32
      %dma_wait3A_177 = tpu.memref_slice %arg2[%dma_wait3A_175, %dma_wait3A_176] : memref<10000x128xf32, #tpu.memory_space<hbm>> -> memref<10000x128xf32, #tpu.memory_space<hbm>>
      tpu.wait_indirect_dma semaphore(%arg25 : memref<!tpu.dma_semaphore, #tpu.memory_space<semaphore_mem>>) src(%dma_wait3A_177 : memref<10000x128xf32, #tpu.memory_space<hbm>>) dst(%arg16 : memref<40x128xf32, #tpu.memory_space<vmem>>)
      %dma_start3A_178 = arith.constant 0 : i32
      %dma_start3A_179 = arith.constant 0 : i32
      %dma_start3A_180 = tpu.memref_slice %arg23[%dma_start3A_178, %dma_start3A_179] : memref<10112x128xf32, #tpu.memory_space<vmem_shared>> -> memref<10112x128xf32, #tpu.memory_space<vmem_shared>>
      tpu.enqueue_indirect_dma source(%arg16 : memref<40x128xf32, #tpu.memory_space<vmem>>) target(%dma_start3A_180 : memref<10112x128xf32, #tpu.memory_space<vmem_shared>>) offsets(%arg12 : memref<40xi32, #tpu.memory_space<vmem>>) semaphore(%arg41 : memref<!tpu.dma_semaphore, #tpu.memory_space<semaphore_mem>>) {add = true}
      %dma_wait3A_181 = arith.constant 0 : i32
      %dma_wait3A_182 = arith.constant 0 : i32
      %dma_wait3A_183 = tpu.memref_slice %arg2[%dma_wait3A_181, %dma_wait3A_182] : memref<10000x128xf32, #tpu.memory_space<hbm>> -> memref<10000x128xf32, #tpu.memory_space<hbm>>
      tpu.wait_indirect_dma semaphore(%arg29 : memref<!tpu.dma_semaphore, #tpu.memory_space<semaphore_mem>>) src(%dma_wait3A_183 : memref<10000x128xf32, #tpu.memory_space<hbm>>) dst(%arg20 : memref<40x128xf32, #tpu.memory_space<vmem>>)
      %dma_start3A_184 = arith.constant 0 : i32
      %dma_start3A_185 = arith.constant 0 : i32
      %dma_start3A_186 = tpu.memref_slice %arg23[%dma_start3A_184, %dma_start3A_185] : memref<10112x128xf32, #tpu.memory_space<vmem_shared>> -> memref<10112x128xf32, #tpu.memory_space<vmem_shared>>
      tpu.enqueue_indirect_dma source(%arg20 : memref<40x128xf32, #tpu.memory_space<vmem>>) target(%dma_start3A_186 : memref<10112x128xf32, #tpu.memory_space<vmem_shared>>) offsets(%arg8 : memref<40xi32, #tpu.memory_space<vmem>>) semaphore(%arg45 : memref<!tpu.dma_semaphore, #tpu.memory_space<semaphore_mem>>) {add = true}
      %dma_wait3A_187 = arith.constant 0 : i32
      %dma_wait3A_188 = arith.constant 0 : i32
      %dma_wait3A_189 = tpu.memref_slice %arg2[%dma_wait3A_187, %dma_wait3A_188] : memref<10000x128xf32, #tpu.memory_space<hbm>> -> memref<10000x128xf32, #tpu.memory_space<hbm>>
      tpu.wait_indirect_dma semaphore(%arg26 : memref<!tpu.dma_semaphore, #tpu.memory_space<semaphore_mem>>) src(%dma_wait3A_189 : memref<10000x128xf32, #tpu.memory_space<hbm>>) dst(%arg17 : memref<40x128xf32, #tpu.memory_space<vmem>>)
      %dma_start3A_190 = arith.constant 0 : i32
      %dma_start3A_191 = arith.constant 0 : i32
      %dma_start3A_192 = tpu.memref_slice %arg23[%dma_start3A_190, %dma_start3A_191] : memref<10112x128xf32, #tpu.memory_space<vmem_shared>> -> memref<10112x128xf32, #tpu.memory_space<vmem_shared>>
      tpu.enqueue_indirect_dma source(%arg17 : memref<40x128xf32, #tpu.memory_space<vmem>>) target(%dma_start3A_192 : memref<10112x128xf32, #tpu.memory_space<vmem_shared>>) offsets(%arg13 : memref<40xi32, #tpu.memory_space<vmem>>) semaphore(%arg42 : memref<!tpu.dma_semaphore, #tpu.memory_space<semaphore_mem>>) {add = true}
      %dma_wait3A_193 = arith.constant 0 : i32
      %dma_wait3A_194 = arith.constant 0 : i32
      %dma_wait3A_195 = tpu.memref_slice %arg2[%dma_wait3A_193, %dma_wait3A_194] : memref<10000x128xf32, #tpu.memory_space<hbm>> -> memref<10000x128xf32, #tpu.memory_space<hbm>>
      tpu.wait_indirect_dma semaphore(%arg30 : memref<!tpu.dma_semaphore, #tpu.memory_space<semaphore_mem>>) src(%dma_wait3A_195 : memref<10000x128xf32, #tpu.memory_space<hbm>>) dst(%arg21 : memref<40x128xf32, #tpu.memory_space<vmem>>)
      %dma_start3A_196 = arith.constant 0 : i32
      %dma_start3A_197 = arith.constant 0 : i32
      %dma_start3A_198 = tpu.memref_slice %arg23[%dma_start3A_196, %dma_start3A_197] : memref<10112x128xf32, #tpu.memory_space<vmem_shared>> -> memref<10112x128xf32, #tpu.memory_space<vmem_shared>>
      tpu.enqueue_indirect_dma source(%arg21 : memref<40x128xf32, #tpu.memory_space<vmem>>) target(%dma_start3A_198 : memref<10112x128xf32, #tpu.memory_space<vmem_shared>>) offsets(%arg9 : memref<40xi32, #tpu.memory_space<vmem>>) semaphore(%arg46 : memref<!tpu.dma_semaphore, #tpu.memory_space<semaphore_mem>>) {add = true}
      %dma_wait3A_199 = arith.constant 0 : i32
      %dma_wait3A_200 = arith.constant 0 : i32
      %dma_wait3A_201 = tpu.memref_slice %arg2[%dma_wait3A_199, %dma_wait3A_200] : memref<10000x128xf32, #tpu.memory_space<hbm>> -> memref<10000x128xf32, #tpu.memory_space<hbm>>
      tpu.wait_indirect_dma semaphore(%arg27 : memref<!tpu.dma_semaphore, #tpu.memory_space<semaphore_mem>>) src(%dma_wait3A_201 : memref<10000x128xf32, #tpu.memory_space<hbm>>) dst(%arg18 : memref<40x128xf32, #tpu.memory_space<vmem>>)
      %dma_start3A_202 = arith.constant 0 : i32
      %dma_start3A_203 = arith.constant 0 : i32
      %dma_start3A_204 = tpu.memref_slice %arg23[%dma_start3A_202, %dma_start3A_203] : memref<10112x128xf32, #tpu.memory_space<vmem_shared>> -> memref<10112x128xf32, #tpu.memory_space<vmem_shared>>
      tpu.enqueue_indirect_dma source(%arg18 : memref<40x128xf32, #tpu.memory_space<vmem>>) target(%dma_start3A_204 : memref<10112x128xf32, #tpu.memory_space<vmem_shared>>) offsets(%arg14 : memref<40xi32, #tpu.memory_space<vmem>>) semaphore(%arg43 : memref<!tpu.dma_semaphore, #tpu.memory_space<semaphore_mem>>) {add = true}
      %dma_wait3A_205 = arith.constant 0 : i32
      %dma_wait3A_206 = arith.constant 0 : i32
      %dma_wait3A_207 = tpu.memref_slice %arg2[%dma_wait3A_205, %dma_wait3A_206] : memref<10000x128xf32, #tpu.memory_space<hbm>> -> memref<10000x128xf32, #tpu.memory_space<hbm>>
      tpu.wait_indirect_dma semaphore(%arg31 : memref<!tpu.dma_semaphore, #tpu.memory_space<semaphore_mem>>) src(%dma_wait3A_207 : memref<10000x128xf32, #tpu.memory_space<hbm>>) dst(%arg22 : memref<40x128xf32, #tpu.memory_space<vmem>>)
      %dma_start3A_208 = arith.constant 0 : i32
      %dma_start3A_209 = arith.constant 0 : i32
      %dma_start3A_210 = tpu.memref_slice %arg23[%dma_start3A_208, %dma_start3A_209] : memref<10112x128xf32, #tpu.memory_space<vmem_shared>> -> memref<10112x128xf32, #tpu.memory_space<vmem_shared>>
      tpu.enqueue_indirect_dma source(%arg22 : memref<40x128xf32, #tpu.memory_space<vmem>>) target(%dma_start3A_210 : memref<10112x128xf32, #tpu.memory_space<vmem_shared>>) offsets(%arg10 : memref<40xi32, #tpu.memory_space<vmem>>) semaphore(%arg47 : memref<!tpu.dma_semaphore, #tpu.memory_space<semaphore_mem>>) {add = true}
      %dma_wait3A_211 = arith.constant 0 : i32
      %dma_wait3A_212 = arith.constant 0 : i32
      %dma_wait3A_213 = tpu.memref_slice %arg23[%dma_wait3A_211, %dma_wait3A_212] : memref<10112x128xf32, #tpu.memory_space<vmem_shared>> -> memref<10112x128xf32, #tpu.memory_space<vmem_shared>>
      tpu.wait_indirect_dma semaphore(%arg40 : memref<!tpu.dma_semaphore, #tpu.memory_space<semaphore_mem>>) src(%arg15 : memref<40x128xf32, #tpu.memory_space<vmem>>) dst(%dma_wait3A_213 : memref<10112x128xf32, #tpu.memory_space<vmem_shared>>)
      %dma_wait3A_214 = arith.constant 0 : i32
      %dma_wait3A_215 = arith.constant 0 : i32
      %dma_wait3A_216 = tpu.memref_slice %arg23[%dma_wait3A_214, %dma_wait3A_215] : memref<10112x128xf32, #tpu.memory_space<vmem_shared>> -> memref<10112x128xf32, #tpu.memory_space<vmem_shared>>
      tpu.wait_indirect_dma semaphore(%arg44 : memref<!tpu.dma_semaphore, #tpu.memory_space<semaphore_mem>>) src(%arg19 : memref<40x128xf32, #tpu.memory_space<vmem>>) dst(%dma_wait3A_216 : memref<10112x128xf32, #tpu.memory_space<vmem_shared>>)
      %dma_wait3A_217 = arith.constant 0 : i32
      %dma_wait3A_218 = arith.constant 0 : i32
      %dma_wait3A_219 = tpu.memref_slice %arg23[%dma_wait3A_217, %dma_wait3A_218] : memref<10112x128xf32, #tpu.memory_space<vmem_shared>> -> memref<10112x128xf32, #tpu.memory_space<vmem_shared>>
      tpu.wait_indirect_dma semaphore(%arg41 : memref<!tpu.dma_semaphore, #tpu.memory_space<semaphore_mem>>) src(%arg16 : memref<40x128xf32, #tpu.memory_space<vmem>>) dst(%dma_wait3A_219 : memref<10112x128xf32, #tpu.memory_space<vmem_shared>>)
      %dma_wait3A_220 = arith.constant 0 : i32
      %dma_wait3A_221 = arith.constant 0 : i32
      %dma_wait3A_222 = tpu.memref_slice %arg23[%dma_wait3A_220, %dma_wait3A_221] : memref<10112x128xf32, #tpu.memory_space<vmem_shared>> -> memref<10112x128xf32, #tpu.memory_space<vmem_shared>>
      tpu.wait_indirect_dma semaphore(%arg45 : memref<!tpu.dma_semaphore, #tpu.memory_space<semaphore_mem>>) src(%arg20 : memref<40x128xf32, #tpu.memory_space<vmem>>) dst(%dma_wait3A_222 : memref<10112x128xf32, #tpu.memory_space<vmem_shared>>)
      %dma_wait3A_223 = arith.constant 0 : i32
      %dma_wait3A_224 = arith.constant 0 : i32
      %dma_wait3A_225 = tpu.memref_slice %arg23[%dma_wait3A_223, %dma_wait3A_224] : memref<10112x128xf32, #tpu.memory_space<vmem_shared>> -> memref<10112x128xf32, #tpu.memory_space<vmem_shared>>
      tpu.wait_indirect_dma semaphore(%arg42 : memref<!tpu.dma_semaphore, #tpu.memory_space<semaphore_mem>>) src(%arg17 : memref<40x128xf32, #tpu.memory_space<vmem>>) dst(%dma_wait3A_225 : memref<10112x128xf32, #tpu.memory_space<vmem_shared>>)
      %dma_wait3A_226 = arith.constant 0 : i32
      %dma_wait3A_227 = arith.constant 0 : i32
      %dma_wait3A_228 = tpu.memref_slice %arg23[%dma_wait3A_226, %dma_wait3A_227] : memref<10112x128xf32, #tpu.memory_space<vmem_shared>> -> memref<10112x128xf32, #tpu.memory_space<vmem_shared>>
      tpu.wait_indirect_dma semaphore(%arg46 : memref<!tpu.dma_semaphore, #tpu.memory_space<semaphore_mem>>) src(%arg21 : memref<40x128xf32, #tpu.memory_space<vmem>>) dst(%dma_wait3A_228 : memref<10112x128xf32, #tpu.memory_space<vmem_shared>>)
      %dma_wait3A_229 = arith.constant 0 : i32
      %dma_wait3A_230 = arith.constant 0 : i32
      %dma_wait3A_231 = tpu.memref_slice %arg23[%dma_wait3A_229, %dma_wait3A_230] : memref<10112x128xf32, #tpu.memory_space<vmem_shared>> -> memref<10112x128xf32, #tpu.memory_space<vmem_shared>>
      tpu.wait_indirect_dma semaphore(%arg43 : memref<!tpu.dma_semaphore, #tpu.memory_space<semaphore_mem>>) src(%arg18 : memref<40x128xf32, #tpu.memory_space<vmem>>) dst(%dma_wait3A_231 : memref<10112x128xf32, #tpu.memory_space<vmem_shared>>)
      %dma_wait3A_232 = arith.constant 0 : i32
      %dma_wait3A_233 = arith.constant 0 : i32
      %dma_wait3A_234 = tpu.memref_slice %arg23[%dma_wait3A_232, %dma_wait3A_233] : memref<10112x128xf32, #tpu.memory_space<vmem_shared>> -> memref<10112x128xf32, #tpu.memory_space<vmem_shared>>
      tpu.wait_indirect_dma semaphore(%arg47 : memref<!tpu.dma_semaphore, #tpu.memory_space<semaphore_mem>>) src(%arg22 : memref<40x128xf32, #tpu.memory_space<vmem>>) dst(%dma_wait3A_234 : memref<10112x128xf32, #tpu.memory_space<vmem_shared>>)
    }
    %scan3A_8 = arith.constant 62 : i32
    %add3A_9 = arith.constant 250 : i32
    %add3A_10 = arith.addi %mul3A_2, %add3A_9 : i32
    %sub3A = arith.constant 2 : i32
    %sub3A_11 = arith.subi %add3A_10, %sub3A : i32
    %mul3A_12 = arith.constant 40 : i32
    %mul3A_13 = arith.muli %sub3A_11, %mul3A_12 : i32
    %add3A_14 = arith.constant 0 : i32
    %add3A_15 = arith.addi %mul3A_13, %add3A_14 : i32
    %dma_start3A = tpu.memref_slice %arg3[%add3A_15] : memref<320000xi32, #tpu.memory_space<hbm>> -> memref<40xi32, #tpu.memory_space<hbm>>
    %dma_start3A_16 = tpu.memref_slice %arg3[%add3A_15] : memref<320000xi32, #tpu.memory_space<hbm>> -> memref<40xi32, #tpu.memory_space<hbm>>
    tpu.enqueue_dma source(%dma_start3A_16 : memref<40xi32, #tpu.memory_space<hbm>>) target(%arg7 : memref<40xi32, #tpu.memory_space<vmem>>) target_semaphore(%arg32 : memref<!tpu.dma_semaphore, #tpu.memory_space<semaphore_mem>>)
    %dma_start3A_17 = tpu.memref_slice %arg4[%add3A_15] : memref<320000xi32, #tpu.memory_space<hbm>> -> memref<40xi32, #tpu.memory_space<hbm>>
    %dma_start3A_18 = tpu.memref_slice %arg4[%add3A_15] : memref<320000xi32, #tpu.memory_space<hbm>> -> memref<40xi32, #tpu.memory_space<hbm>>
    tpu.enqueue_dma source(%dma_start3A_18 : memref<40xi32, #tpu.memory_space<hbm>>) target(%arg11 : memref<40xi32, #tpu.memory_space<vmem>>) target_semaphore(%arg36 : memref<!tpu.dma_semaphore, #tpu.memory_space<semaphore_mem>>)
    %mul3A_19 = arith.constant 40 : i32
    %mul3A_20 = arith.muli %sub3A_11, %mul3A_19 : i32
    %add3A_21 = arith.constant 40 : i32
    %add3A_22 = arith.addi %mul3A_20, %add3A_21 : i32
    %dma_start3A_23 = tpu.memref_slice %arg3[%add3A_22] : memref<320000xi32, #tpu.memory_space<hbm>> -> memref<40xi32, #tpu.memory_space<hbm>>
    %dma_start3A_24 = tpu.memref_slice %arg3[%add3A_22] : memref<320000xi32, #tpu.memory_space<hbm>> -> memref<40xi32, #tpu.memory_space<hbm>>
    tpu.enqueue_dma source(%dma_start3A_24 : memref<40xi32, #tpu.memory_space<hbm>>) target(%arg8 : memref<40xi32, #tpu.memory_space<vmem>>) target_semaphore(%arg33 : memref<!tpu.dma_semaphore, #tpu.memory_space<semaphore_mem>>)
    %dma_start3A_25 = tpu.memref_slice %arg4[%add3A_22] : memref<320000xi32, #tpu.memory_space<hbm>> -> memref<40xi32, #tpu.memory_space<hbm>>
    %dma_start3A_26 = tpu.memref_slice %arg4[%add3A_22] : memref<320000xi32, #tpu.memory_space<hbm>> -> memref<40xi32, #tpu.memory_space<hbm>>
    tpu.enqueue_dma source(%dma_start3A_26 : memref<40xi32, #tpu.memory_space<hbm>>) target(%arg12 : memref<40xi32, #tpu.memory_space<vmem>>) target_semaphore(%arg37 : memref<!tpu.dma_semaphore, #tpu.memory_space<semaphore_mem>>)
    %dma_wait3A = tpu.memref_slice %arg3[%add3A_15] : memref<320000xi32, #tpu.memory_space<hbm>> -> memref<40xi32, #tpu.memory_space<hbm>>
    %dma_wait3A_27 = tpu.memref_slice %arg3[%add3A_15] : memref<320000xi32, #tpu.memory_space<hbm>> -> memref<40xi32, #tpu.memory_space<hbm>>
    tpu.wait_dma2 semaphore(%arg32 : memref<!tpu.dma_semaphore, #tpu.memory_space<semaphore_mem>>) src(%dma_wait3A_27 : memref<40xi32, #tpu.memory_space<hbm>>) dst(%arg7 : memref<40xi32, #tpu.memory_space<vmem>>)
    %dma_wait3A_28 = tpu.memref_slice %arg4[%add3A_15] : memref<320000xi32, #tpu.memory_space<hbm>> -> memref<40xi32, #tpu.memory_space<hbm>>
    %dma_wait3A_29 = tpu.memref_slice %arg4[%add3A_15] : memref<320000xi32, #tpu.memory_space<hbm>> -> memref<40xi32, #tpu.memory_space<hbm>>
    tpu.wait_dma2 semaphore(%arg36 : memref<!tpu.dma_semaphore, #tpu.memory_space<semaphore_mem>>) src(%dma_wait3A_29 : memref<40xi32, #tpu.memory_space<hbm>>) dst(%arg11 : memref<40xi32, #tpu.memory_space<vmem>>)
    %dma_start3A_30 = arith.constant 0 : i32
    %dma_start3A_31 = arith.constant 0 : i32
    %dma_start3A_32 = tpu.memref_slice %arg2[%dma_start3A_30, %dma_start3A_31] : memref<10000x128xf32, #tpu.memory_space<hbm>> -> memref<10000x128xf32, #tpu.memory_space<hbm>>
    tpu.enqueue_indirect_dma source(%dma_start3A_32 : memref<10000x128xf32, #tpu.memory_space<hbm>>) target(%arg15 : memref<40x128xf32, #tpu.memory_space<vmem>>) offsets(%arg7 : memref<40xi32, #tpu.memory_space<vmem>>) semaphore(%arg24 : memref<!tpu.dma_semaphore, #tpu.memory_space<semaphore_mem>>)
    %dma_start3A_33 = arith.constant 0 : i32
    %dma_start3A_34 = arith.constant 0 : i32
    %dma_start3A_35 = tpu.memref_slice %arg2[%dma_start3A_33, %dma_start3A_34] : memref<10000x128xf32, #tpu.memory_space<hbm>> -> memref<10000x128xf32, #tpu.memory_space<hbm>>
    tpu.enqueue_indirect_dma source(%dma_start3A_35 : memref<10000x128xf32, #tpu.memory_space<hbm>>) target(%arg19 : memref<40x128xf32, #tpu.memory_space<vmem>>) offsets(%arg11 : memref<40xi32, #tpu.memory_space<vmem>>) semaphore(%arg28 : memref<!tpu.dma_semaphore, #tpu.memory_space<semaphore_mem>>)
    %dma_wait3A_36 = tpu.memref_slice %arg3[%add3A_22] : memref<320000xi32, #tpu.memory_space<hbm>> -> memref<40xi32, #tpu.memory_space<hbm>>
    %dma_wait3A_37 = tpu.memref_slice %arg3[%add3A_22] : memref<320000xi32, #tpu.memory_space<hbm>> -> memref<40xi32, #tpu.memory_space<hbm>>
    tpu.wait_dma2 semaphore(%arg33 : memref<!tpu.dma_semaphore, #tpu.memory_space<semaphore_mem>>) src(%dma_wait3A_37 : memref<40xi32, #tpu.memory_space<hbm>>) dst(%arg8 : memref<40xi32, #tpu.memory_space<vmem>>)
    %dma_wait3A_38 = tpu.memref_slice %arg4[%add3A_22] : memref<320000xi32, #tpu.memory_space<hbm>> -> memref<40xi32, #tpu.memory_space<hbm>>
    %dma_wait3A_39 = tpu.memref_slice %arg4[%add3A_22] : memref<320000xi32, #tpu.memory_space<hbm>> -> memref<40xi32, #tpu.memory_space<hbm>>
    tpu.wait_dma2 semaphore(%arg37 : memref<!tpu.dma_semaphore, #tpu.memory_space<semaphore_mem>>) src(%dma_wait3A_39 : memref<40xi32, #tpu.memory_space<hbm>>) dst(%arg12 : memref<40xi32, #tpu.memory_space<vmem>>)
    %dma_start3A_40 = arith.constant 0 : i32
    %dma_start3A_41 = arith.constant 0 : i32
    %dma_start3A_42 = tpu.memref_slice %arg2[%dma_start3A_40, %dma_start3A_41] : memref<10000x128xf32, #tpu.memory_space<hbm>> -> memref<10000x128xf32, #tpu.memory_space<hbm>>
    tpu.enqueue_indirect_dma source(%dma_start3A_42 : memref<10000x128xf32, #tpu.memory_space<hbm>>) target(%arg16 : memref<40x128xf32, #tpu.memory_space<vmem>>) offsets(%arg8 : memref<40xi32, #tpu.memory_space<vmem>>) semaphore(%arg25 : memref<!tpu.dma_semaphore, #tpu.memory_space<semaphore_mem>>)
    %dma_start3A_43 = arith.constant 0 : i32
    %dma_start3A_44 = arith.constant 0 : i32
    %dma_start3A_45 = tpu.memref_slice %arg2[%dma_start3A_43, %dma_start3A_44] : memref<10000x128xf32, #tpu.memory_space<hbm>> -> memref<10000x128xf32, #tpu.memory_space<hbm>>
    tpu.enqueue_indirect_dma source(%dma_start3A_45 : memref<10000x128xf32, #tpu.memory_space<hbm>>) target(%arg20 : memref<40x128xf32, #tpu.memory_space<vmem>>) offsets(%arg12 : memref<40xi32, #tpu.memory_space<vmem>>) semaphore(%arg29 : memref<!tpu.dma_semaphore, #tpu.memory_space<semaphore_mem>>)
    %dma_wait3A_46 = arith.constant 0 : i32
    %dma_wait3A_47 = arith.constant 0 : i32
    %dma_wait3A_48 = tpu.memref_slice %arg2[%dma_wait3A_46, %dma_wait3A_47] : memref<10000x128xf32, #tpu.memory_space<hbm>> -> memref<10000x128xf32, #tpu.memory_space<hbm>>
    tpu.wait_indirect_dma semaphore(%arg24 : memref<!tpu.dma_semaphore, #tpu.memory_space<semaphore_mem>>) src(%dma_wait3A_48 : memref<10000x128xf32, #tpu.memory_space<hbm>>) dst(%arg15 : memref<40x128xf32, #tpu.memory_space<vmem>>)
    %dma_start3A_49 = arith.constant 0 : i32
    %dma_start3A_50 = arith.constant 0 : i32
    %dma_start3A_51 = tpu.memref_slice %arg23[%dma_start3A_49, %dma_start3A_50] : memref<10112x128xf32, #tpu.memory_space<vmem_shared>> -> memref<10112x128xf32, #tpu.memory_space<vmem_shared>>
    tpu.enqueue_indirect_dma source(%arg15 : memref<40x128xf32, #tpu.memory_space<vmem>>) target(%dma_start3A_51 : memref<10112x128xf32, #tpu.memory_space<vmem_shared>>) offsets(%arg11 : memref<40xi32, #tpu.memory_space<vmem>>) semaphore(%arg40 : memref<!tpu.dma_semaphore, #tpu.memory_space<semaphore_mem>>) {add = true}
    %dma_wait3A_52 = arith.constant 0 : i32
    %dma_wait3A_53 = arith.constant 0 : i32
    %dma_wait3A_54 = tpu.memref_slice %arg2[%dma_wait3A_52, %dma_wait3A_53] : memref<10000x128xf32, #tpu.memory_space<hbm>> -> memref<10000x128xf32, #tpu.memory_space<hbm>>
    tpu.wait_indirect_dma semaphore(%arg28 : memref<!tpu.dma_semaphore, #tpu.memory_space<semaphore_mem>>) src(%dma_wait3A_54 : memref<10000x128xf32, #tpu.memory_space<hbm>>) dst(%arg19 : memref<40x128xf32, #tpu.memory_space<vmem>>)
    %dma_start3A_55 = arith.constant 0 : i32
    %dma_start3A_56 = arith.constant 0 : i32
    %dma_start3A_57 = tpu.memref_slice %arg23[%dma_start3A_55, %dma_start3A_56] : memref<10112x128xf32, #tpu.memory_space<vmem_shared>> -> memref<10112x128xf32, #tpu.memory_space<vmem_shared>>
    tpu.enqueue_indirect_dma source(%arg19 : memref<40x128xf32, #tpu.memory_space<vmem>>) target(%dma_start3A_57 : memref<10112x128xf32, #tpu.memory_space<vmem_shared>>) offsets(%arg7 : memref<40xi32, #tpu.memory_space<vmem>>) semaphore(%arg44 : memref<!tpu.dma_semaphore, #tpu.memory_space<semaphore_mem>>) {add = true}
    %dma_wait3A_58 = arith.constant 0 : i32
    %dma_wait3A_59 = arith.constant 0 : i32
    %dma_wait3A_60 = tpu.memref_slice %arg2[%dma_wait3A_58, %dma_wait3A_59] : memref<10000x128xf32, #tpu.memory_space<hbm>> -> memref<10000x128xf32, #tpu.memory_space<hbm>>
    tpu.wait_indirect_dma semaphore(%arg25 : memref<!tpu.dma_semaphore, #tpu.memory_space<semaphore_mem>>) src(%dma_wait3A_60 : memref<10000x128xf32, #tpu.memory_space<hbm>>) dst(%arg16 : memref<40x128xf32, #tpu.memory_space<vmem>>)
    %dma_start3A_61 = arith.constant 0 : i32
    %dma_start3A_62 = arith.constant 0 : i32
    %dma_start3A_63 = tpu.memref_slice %arg23[%dma_start3A_61, %dma_start3A_62] : memref<10112x128xf32, #tpu.memory_space<vmem_shared>> -> memref<10112x128xf32, #tpu.memory_space<vmem_shared>>
    tpu.enqueue_indirect_dma source(%arg16 : memref<40x128xf32, #tpu.memory_space<vmem>>) target(%dma_start3A_63 : memref<10112x128xf32, #tpu.memory_space<vmem_shared>>) offsets(%arg12 : memref<40xi32, #tpu.memory_space<vmem>>) semaphore(%arg41 : memref<!tpu.dma_semaphore, #tpu.memory_space<semaphore_mem>>) {add = true}
    %dma_wait3A_64 = arith.constant 0 : i32
    %dma_wait3A_65 = arith.constant 0 : i32
    %dma_wait3A_66 = tpu.memref_slice %arg2[%dma_wait3A_64, %dma_wait3A_65] : memref<10000x128xf32, #tpu.memory_space<hbm>> -> memref<10000x128xf32, #tpu.memory_space<hbm>>
    tpu.wait_indirect_dma semaphore(%arg29 : memref<!tpu.dma_semaphore, #tpu.memory_space<semaphore_mem>>) src(%dma_wait3A_66 : memref<10000x128xf32, #tpu.memory_space<hbm>>) dst(%arg20 : memref<40x128xf32, #tpu.memory_space<vmem>>)
    %dma_start3A_67 = arith.constant 0 : i32
    %dma_start3A_68 = arith.constant 0 : i32
    %dma_start3A_69 = tpu.memref_slice %arg23[%dma_start3A_67, %dma_start3A_68] : memref<10112x128xf32, #tpu.memory_space<vmem_shared>> -> memref<10112x128xf32, #tpu.memory_space<vmem_shared>>
    tpu.enqueue_indirect_dma source(%arg20 : memref<40x128xf32, #tpu.memory_space<vmem>>) target(%dma_start3A_69 : memref<10112x128xf32, #tpu.memory_space<vmem_shared>>) offsets(%arg8 : memref<40xi32, #tpu.memory_space<vmem>>) semaphore(%arg45 : memref<!tpu.dma_semaphore, #tpu.memory_space<semaphore_mem>>) {add = true}
    %dma_wait3A_70 = arith.constant 0 : i32
    %dma_wait3A_71 = arith.constant 0 : i32
    %dma_wait3A_72 = tpu.memref_slice %arg23[%dma_wait3A_70, %dma_wait3A_71] : memref<10112x128xf32, #tpu.memory_space<vmem_shared>> -> memref<10112x128xf32, #tpu.memory_space<vmem_shared>>
    tpu.wait_indirect_dma semaphore(%arg40 : memref<!tpu.dma_semaphore, #tpu.memory_space<semaphore_mem>>) src(%arg15 : memref<40x128xf32, #tpu.memory_space<vmem>>) dst(%dma_wait3A_72 : memref<10112x128xf32, #tpu.memory_space<vmem_shared>>)
    %dma_wait3A_73 = arith.constant 0 : i32
    %dma_wait3A_74 = arith.constant 0 : i32
    %dma_wait3A_75 = tpu.memref_slice %arg23[%dma_wait3A_73, %dma_wait3A_74] : memref<10112x128xf32, #tpu.memory_space<vmem_shared>> -> memref<10112x128xf32, #tpu.memory_space<vmem_shared>>
    tpu.wait_indirect_dma semaphore(%arg44 : memref<!tpu.dma_semaphore, #tpu.memory_space<semaphore_mem>>) src(%arg19 : memref<40x128xf32, #tpu.memory_space<vmem>>) dst(%dma_wait3A_75 : memref<10112x128xf32, #tpu.memory_space<vmem_shared>>)
    %dma_wait3A_76 = arith.constant 0 : i32
    %dma_wait3A_77 = arith.constant 0 : i32
    %dma_wait3A_78 = tpu.memref_slice %arg23[%dma_wait3A_76, %dma_wait3A_77] : memref<10112x128xf32, #tpu.memory_space<vmem_shared>> -> memref<10112x128xf32, #tpu.memory_space<vmem_shared>>
    tpu.wait_indirect_dma semaphore(%arg41 : memref<!tpu.dma_semaphore, #tpu.memory_space<semaphore_mem>>) src(%arg16 : memref<40x128xf32, #tpu.memory_space<vmem>>) dst(%dma_wait3A_78 : memref<10112x128xf32, #tpu.memory_space<vmem_shared>>)
    %dma_wait3A_79 = arith.constant 0 : i32
    %dma_wait3A_80 = arith.constant 0 : i32
    %dma_wait3A_81 = tpu.memref_slice %arg23[%dma_wait3A_79, %dma_wait3A_80] : memref<10112x128xf32, #tpu.memory_space<vmem_shared>> -> memref<10112x128xf32, #tpu.memory_space<vmem_shared>>
    tpu.wait_indirect_dma semaphore(%arg45 : memref<!tpu.dma_semaphore, #tpu.memory_space<semaphore_mem>>) src(%arg20 : memref<40x128xf32, #tpu.memory_space<vmem>>) dst(%dma_wait3A_81 : memref<10112x128xf32, #tpu.memory_space<vmem_shared>>)
    %barrier3A_82 = arith.constant 0 : index
    tpu.barrier barrier_id(%barrier3A_82)
    "tpu.region"() ({
      %run_scoped3A = tpu.sem_alloc : memref<!tpu.dma_semaphore, #tpu.memory_space<semaphore_mem>>
      %dma_start3A_83 = arith.constant 0 : i32
      %dma_start3A_84 = tpu.memref_slice %arg6[%arg0, %mul3A_4, %dma_start3A_83] : memref<2x10112x128xf32, #tpu.memory_space<hbm>> -> memref<1x632x128xf32, #tpu.memory_space<hbm>>
      %dma_start3A_85 = tpu.memref_squeeze %dma_start3A_84 : memref<1x632x128xf32, #tpu.memory_space<hbm>> -> memref<632x128xf32, #tpu.memory_space<hbm>>
      %dma_start3A_86 = arith.constant 0 : i32
      %dma_start3A_87 = tpu.memref_slice %arg23[%mul3A_4, %dma_start3A_86] : memref<10112x128xf32, #tpu.memory_space<vmem_shared>> -> memref<632x128xf32, #tpu.memory_space<vmem_shared>>
      tpu.enqueue_dma source(%dma_start3A_87 : memref<632x128xf32, #tpu.memory_space<vmem_shared>>) target(%dma_start3A_85 : memref<632x128xf32, #tpu.memory_space<hbm>>) target_semaphore(%run_scoped3A : memref<!tpu.dma_semaphore, #tpu.memory_space<semaphore_mem>>)
      %dma_wait3A_88 = arith.constant 0 : i32
      %dma_wait3A_89 = tpu.memref_slice %arg6[%arg0, %mul3A_4, %dma_wait3A_88] : memref<2x10112x128xf32, #tpu.memory_space<hbm>> -> memref<1x632x128xf32, #tpu.memory_space<hbm>>
      %dma_wait3A_90 = tpu.memref_squeeze %dma_wait3A_89 : memref<1x632x128xf32, #tpu.memory_space<hbm>> -> memref<632x128xf32, #tpu.memory_space<hbm>>
      %dma_wait3A_91 = arith.constant 0 : i32
      %dma_wait3A_92 = tpu.memref_slice %arg23[%mul3A_4, %dma_wait3A_91] : memref<10112x128xf32, #tpu.memory_space<vmem_shared>> -> memref<632x128xf32, #tpu.memory_space<vmem_shared>>
      tpu.wait_dma2 semaphore(%run_scoped3A : memref<!tpu.dma_semaphore, #tpu.memory_space<semaphore_mem>>) src(%dma_wait3A_92 : memref<632x128xf32, #tpu.memory_space<vmem_shared>>) dst(%dma_wait3A_90 : memref<632x128xf32, #tpu.memory_space<hbm>>)
      tpu.yield
    }) : () -> ()
    return
  }
}

module attributes {stable_mosaic.version = 14 : i64} {
  func.func @_mlp_body(%arg0: i32, %arg1: memref<2x1000x128xf32, #tpu.memory_space<vmem>>, %arg2: memref<128x128xf32, #tpu.memory_space<vmem>>, %arg3: memref<1x128xf32, #tpu.memory_space<vmem>>, %arg4: memref<128x128xf32, #tpu.memory_space<vmem>>, %arg5: memref<1x128xf32, #tpu.memory_space<vmem>>, %arg6: memref<128x128xf32, #tpu.memory_space<vmem>>, %arg7: memref<1x128xf32, #tpu.memory_space<vmem>>, %arg8: memref<1x128xf32, #tpu.memory_space<vmem>>, %arg9: memref<1x128xf32, #tpu.memory_space<vmem>>, %arg10: memref<1000x128xf32, #tpu.memory_space<vmem>>) attributes {dimension_semantics = [#tpu.dimension_semantics<arbitrary>], iteration_bounds = array<i64: 10>, scalar_prefetch = 0 : i64, scratch_operands = 0 : i64, tpu.core_type = #tpu.core_type<tc>, window_params = [{transform_indices = @transform_0, window_bounds = array<i64: 2, 1000, 128>}, {pipeline_mode = #tpu.pipeline_mode<synchronous>, transform_indices = @transform_1, window_bounds = array<i64: 128, 128>}, {pipeline_mode = #tpu.pipeline_mode<synchronous>, transform_indices = @transform_2, window_bounds = array<i64: 1, 128>}, {pipeline_mode = #tpu.pipeline_mode<synchronous>, transform_indices = @transform_3, window_bounds = array<i64: 128, 128>}, {pipeline_mode = #tpu.pipeline_mode<synchronous>, transform_indices = @transform_4, window_bounds = array<i64: 1, 128>}, {pipeline_mode = #tpu.pipeline_mode<synchronous>, transform_indices = @transform_5, window_bounds = array<i64: 128, 128>}, {pipeline_mode = #tpu.pipeline_mode<synchronous>, transform_indices = @transform_6, window_bounds = array<i64: 1, 128>}, {pipeline_mode = #tpu.pipeline_mode<synchronous>, transform_indices = @transform_7, window_bounds = array<i64: 1, 128>}, {pipeline_mode = #tpu.pipeline_mode<synchronous>, transform_indices = @transform_8, window_bounds = array<i64: 1, 128>}, {transform_indices = @transform_9, window_bounds = array<i64: 1000, 128>}]} {
    %get3A = arith.constant 0 : index
    %get3A_0 = arith.constant 0 : index
    %get3A_1 = arith.constant 0 : index
    %get3A_2 = vector.load %arg1[%get3A, %get3A_0, %get3A_1] : memref<2x1000x128xf32, #tpu.memory_space<vmem>>, vector<1x1000x128xf32>
    %get3A_3 = vector.shape_cast %get3A_2 : vector<1x1000x128xf32> to vector<1000x128xf32>
    %get3A_4 = arith.constant 1 : index
    %get3A_5 = arith.constant 0 : index
    %get3A_6 = arith.constant 0 : index
    %get3A_7 = vector.load %arg1[%get3A_4, %get3A_5, %get3A_6] : memref<2x1000x128xf32, #tpu.memory_space<vmem>>, vector<1x1000x128xf32>
    %get3A_8 = vector.shape_cast %get3A_7 : vector<1x1000x128xf32> to vector<1000x128xf32>
    %add3A = arith.addf %get3A_3, %get3A_8 : vector<1000x128xf32>
    %get3A_9 = arith.constant 0 : index
    %get3A_10 = arith.constant 0 : index
    %get3A_11 = vector.load %arg2[%get3A_9, %get3A_10] : memref<128x128xf32, #tpu.memory_space<vmem>>, vector<128x128xf32>
    %dot_general3A = arith.constant dense<0.000000e+00> : vector<1000x128xf32>
    %dot_general3A_12 = tpu.matmul %add3A, %get3A_11, %dot_general3A {dimension_numbers = #tpu.dot_dimension_numbers<[1], [0], [0], [1], [0, 0, 1, 1], [], []>, transpose_lhs_hint = false} : vector<1000x128xf32>, vector<128x128xf32>, vector<1000x128xf32> -> vector<1000x128xf32>
    %get3A_13 = arith.constant 0 : index
    %get3A_14 = arith.constant 0 : index
    %get3A_15 = vector.load %arg3[%get3A_13, %get3A_14] : memref<1x128xf32, #tpu.memory_space<vmem>>, vector<1x128xf32>
    %add3A_16 = vector.broadcast %get3A_15 : vector<1x128xf32> to vector<1000x128xf32>
    %add3A_17 = arith.addf %dot_general3A_12, %add3A_16 : vector<1000x128xf32>
    %mul3A = arith.constant 5.000000e-01 : f32
    %mul3A_18 = vector.broadcast %mul3A : f32 to vector<1000x128xf32>
    %mul3A_19 = arith.mulf %mul3A_18, %add3A_17 : vector<1000x128xf32>
    %mul3A_20 = arith.constant 0.707106769 : f32
    %mul3A_21 = vector.broadcast %mul3A_20 : f32 to vector<1000x128xf32>
    %mul3A_22 = arith.mulf %add3A_17, %mul3A_21 : vector<1000x128xf32>
    %erf3A = math.erf %mul3A_22 : vector<1000x128xf32>
    %add3A_23 = arith.constant 1.000000e+00 : f32
    %add3A_24 = vector.broadcast %add3A_23 : f32 to vector<1000x128xf32>
    %add3A_25 = arith.addf %add3A_24, %erf3A : vector<1000x128xf32>
    %mul3A_26 = arith.mulf %mul3A_19, %add3A_25 : vector<1000x128xf32>
    %get3A_27 = arith.constant 0 : index
    %get3A_28 = arith.constant 0 : index
    %get3A_29 = vector.load %arg4[%get3A_27, %get3A_28] : memref<128x128xf32, #tpu.memory_space<vmem>>, vector<128x128xf32>
    %dot_general3A_30 = arith.constant dense<0.000000e+00> : vector<1000x128xf32>
    %dot_general3A_31 = tpu.matmul %mul3A_26, %get3A_29, %dot_general3A_30 {dimension_numbers = #tpu.dot_dimension_numbers<[1], [0], [0], [1], [0, 0, 1, 1], [], []>, transpose_lhs_hint = false} : vector<1000x128xf32>, vector<128x128xf32>, vector<1000x128xf32> -> vector<1000x128xf32>
    %get3A_32 = arith.constant 0 : index
    %get3A_33 = arith.constant 0 : index
    %get3A_34 = vector.load %arg5[%get3A_32, %get3A_33] : memref<1x128xf32, #tpu.memory_space<vmem>>, vector<1x128xf32>
    %add3A_35 = vector.broadcast %get3A_34 : vector<1x128xf32> to vector<1000x128xf32>
    %add3A_36 = arith.addf %dot_general3A_31, %add3A_35 : vector<1000x128xf32>
    %mul3A_37 = arith.constant 5.000000e-01 : f32
    %mul3A_38 = vector.broadcast %mul3A_37 : f32 to vector<1000x128xf32>
    %mul3A_39 = arith.mulf %mul3A_38, %add3A_36 : vector<1000x128xf32>
    %mul3A_40 = arith.constant 0.707106769 : f32
    %mul3A_41 = vector.broadcast %mul3A_40 : f32 to vector<1000x128xf32>
    %mul3A_42 = arith.mulf %add3A_36, %mul3A_41 : vector<1000x128xf32>
    %erf3A_43 = math.erf %mul3A_42 : vector<1000x128xf32>
    %add3A_44 = arith.constant 1.000000e+00 : f32
    %add3A_45 = vector.broadcast %add3A_44 : f32 to vector<1000x128xf32>
    %add3A_46 = arith.addf %add3A_45, %erf3A_43 : vector<1000x128xf32>
    %mul3A_47 = arith.mulf %mul3A_39, %add3A_46 : vector<1000x128xf32>
    %get3A_48 = arith.constant 0 : index
    %get3A_49 = arith.constant 0 : index
    %get3A_50 = vector.load %arg6[%get3A_48, %get3A_49] : memref<128x128xf32, #tpu.memory_space<vmem>>, vector<128x128xf32>
    %dot_general3A_51 = arith.constant dense<0.000000e+00> : vector<1000x128xf32>
    %dot_general3A_52 = tpu.matmul %mul3A_47, %get3A_50, %dot_general3A_51 {dimension_numbers = #tpu.dot_dimension_numbers<[1], [0], [0], [1], [0, 0, 1, 1], [], []>, transpose_lhs_hint = false} : vector<1000x128xf32>, vector<128x128xf32>, vector<1000x128xf32> -> vector<1000x128xf32>
    %get3A_53 = arith.constant 0 : index
    %get3A_54 = arith.constant 0 : index
    %get3A_55 = vector.load %arg7[%get3A_53, %get3A_54] : memref<1x128xf32, #tpu.memory_space<vmem>>, vector<1x128xf32>
    %add3A_56 = vector.broadcast %get3A_55 : vector<1x128xf32> to vector<1000x128xf32>
    %add3A_57 = arith.addf %dot_general3A_52, %add3A_56 : vector<1000x128xf32>
    %reduce_sum3A = arith.constant dense<0.000000e+00> : vector<1000xf32>
    %reduce_sum3A_58 = vector.multi_reduction <add>, %add3A_57, %reduce_sum3A [1] : vector<1000x128xf32> to vector<1000xf32>
    %broadcast_in_dim3A = vector.shape_cast %reduce_sum3A_58 : vector<1000xf32> to vector<1000x1xf32>
    %div3A = arith.constant 1.280000e+02 : f32
    %div3A_59 = vector.broadcast %div3A : f32 to vector<1000x1xf32>
    %div3A_60 = arith.divf %broadcast_in_dim3A, %div3A_59 : vector<1000x1xf32>
    %sub3A = vector.broadcast %div3A_60 : vector<1000x1xf32> to vector<1000x128xf32>
    %sub3A_61 = arith.subf %add3A_57, %sub3A : vector<1000x128xf32>
    %integer_pow3A = arith.mulf %sub3A_61, %sub3A_61 : vector<1000x128xf32>
    %reduce_sum3A_62 = arith.constant dense<0.000000e+00> : vector<1000xf32>
    %reduce_sum3A_63 = vector.multi_reduction <add>, %integer_pow3A, %reduce_sum3A_62 [1] : vector<1000x128xf32> to vector<1000xf32>
    %broadcast_in_dim3A_64 = vector.shape_cast %reduce_sum3A_63 : vector<1000xf32> to vector<1000x1xf32>
    %div3A_65 = arith.constant 1.280000e+02 : f32
    %div3A_66 = vector.broadcast %div3A_65 : f32 to vector<1000x1xf32>
    %div3A_67 = arith.divf %broadcast_in_dim3A_64, %div3A_66 : vector<1000x1xf32>
    %sub3A_68 = vector.broadcast %div3A_60 : vector<1000x1xf32> to vector<1000x128xf32>
    %sub3A_69 = arith.subf %add3A_57, %sub3A_68 : vector<1000x128xf32>
    %add3A_70 = arith.constant 9.99999974E-6 : f32
    %add3A_71 = vector.broadcast %add3A_70 : f32 to vector<1000x1xf32>
    %add3A_72 = arith.addf %div3A_67, %add3A_71 : vector<1000x1xf32>
    %sqrt3A = math.sqrt %add3A_72 : vector<1000x1xf32>
    %div3A_73 = vector.broadcast %sqrt3A : vector<1000x1xf32> to vector<1000x128xf32>
    %div3A_74 = arith.divf %sub3A_69, %div3A_73 : vector<1000x128xf32>
    %get3A_75 = arith.constant 0 : index
    %get3A_76 = arith.constant 0 : index
    %get3A_77 = vector.load %arg8[%get3A_75, %get3A_76] : memref<1x128xf32, #tpu.memory_space<vmem>>, vector<1x128xf32>
    %mul3A_78 = vector.broadcast %get3A_77 : vector<1x128xf32> to vector<1000x128xf32>
    %mul3A_79 = arith.mulf %div3A_74, %mul3A_78 : vector<1000x128xf32>
    %get3A_80 = arith.constant 0 : index
    %get3A_81 = arith.constant 0 : index
    %get3A_82 = vector.load %arg9[%get3A_80, %get3A_81] : memref<1x128xf32, #tpu.memory_space<vmem>>, vector<1x128xf32>
    %add3A_83 = vector.broadcast %get3A_82 : vector<1x128xf32> to vector<1000x128xf32>
    %add3A_84 = arith.addf %mul3A_79, %add3A_83 : vector<1000x128xf32>
    %swap3A = arith.constant 0 : index
    %swap3A_85 = arith.constant 0 : index
    %swap3A_86 = vector.load %arg10[%swap3A, %swap3A_85] : memref<1000x128xf32, #tpu.memory_space<vmem>>, vector<1000x128xf32>
    tpu.vector_store %arg10[%swap3A, %swap3A_85], %add3A_84 {strides = array<i32>} : memref<1000x128xf32, #tpu.memory_space<vmem>>, vector<1000x128xf32>,
    return
  }
  func.func @transform_0(%arg0: i32) -> (i32, i32, i32) {
    %c0_i32 = arith.constant 0 : i32
    %c0_i32_0 = arith.constant 0 : i32
    %c0_i32_1 = arith.constant 0 : i32
    return %c0_i32, %arg0, %c0_i32_0 : i32, i32, i32
  }
  func.func @transform_1(%arg0: i32) -> (i32, i32) {
    %c0_i32 = arith.constant 0 : i32
    %c0_i32_0 = arith.constant 0 : i32
    %c0_i32_1 = arith.constant 0 : i32
    return %c0_i32, %c0_i32_0 : i32, i32
  }
  func.func @transform_2(%arg0: i32) -> (i32, i32) {
    %c0_i32 = arith.constant 0 : i32
    %c0_i32_0 = arith.constant 0 : i32
    %c0_i32_1 = arith.constant 0 : i32
    return %c0_i32, %c0_i32_0 : i32, i32
  }
  func.func @transform_3(%arg0: i32) -> (i32, i32) {
    %c0_i32 = arith.constant 0 : i32
    %c0_i32_0 = arith.constant 0 : i32
    %c0_i32_1 = arith.constant 0 : i32
    return %c0_i32, %c0_i32_0 : i32, i32
  }
  func.func @transform_4(%arg0: i32) -> (i32, i32) {
    %c0_i32 = arith.constant 0 : i32
    %c0_i32_0 = arith.constant 0 : i32
    %c0_i32_1 = arith.constant 0 : i32
    return %c0_i32, %c0_i32_0 : i32, i32
  }
  func.func @transform_5(%arg0: i32) -> (i32, i32) {
    %c0_i32 = arith.constant 0 : i32
    %c0_i32_0 = arith.constant 0 : i32
    %c0_i32_1 = arith.constant 0 : i32
    return %c0_i32, %c0_i32_0 : i32, i32
  }
  func.func @transform_6(%arg0: i32) -> (i32, i32) {
    %c0_i32 = arith.constant 0 : i32
    %c0_i32_0 = arith.constant 0 : i32
    %c0_i32_1 = arith.constant 0 : i32
    return %c0_i32, %c0_i32_0 : i32, i32
  }
  func.func @transform_7(%arg0: i32) -> (i32, i32) {
    %c0_i32 = arith.constant 0 : i32
    %c0_i32_0 = arith.constant 0 : i32
    %c0_i32_1 = arith.constant 0 : i32
    return %c0_i32, %c0_i32_0 : i32, i32
  }
  func.func @transform_8(%arg0: i32) -> (i32, i32) {
    %c0_i32 = arith.constant 0 : i32
    %c0_i32_0 = arith.constant 0 : i32
    %c0_i32_1 = arith.constant 0 : i32
    return %c0_i32, %c0_i32_0 : i32, i32
  }
  func.func @transform_9(%arg0: i32) -> (i32, i32) {
    %c0_i32 = arith.constant 0 : i32
    %c0_i32_0 = arith.constant 0 : i32
    return %arg0, %c0_i32 : i32, i32
  }
}

</mosaic_0001>

<sc_bundles>
// kernel: kernel.4.cloned.1.call-start
scs
__scs_entry_jumppad:
0x0: {  	(pc) =	sbr.rel $0x88, $3  }
0x1: {  	(tag) =	ssettag $0x0;
	lr =	simm.s32 $0x1  }
0x2: {  	[smem:$0x3F97] =	sst lr;
	_ =	strace $0xD0000000  }
0x3: {  	_ = 	snop  }
0x4: {  	_ = 	snop  }
0x5: {  	_ = 	snop  }
0x6: {  	_ = 	snop  }
0x7: {  	_ = 	snop  }
__scs_overlays_trampoline_lowered:
0x8: {  	[smem:$0x3FA6] =	sst s0  }
0x9: {  	[smem:$0x3FA7] =	sst s1  }
0xa: {  	[smem:$0x3FA8] =	sst s2  }
0xb: {  	[smem:$0x3FA9] =	sst s3  }
0xc: {  	[smem:$0x3FAA] =	sst s4  }
0xd: {  	[smem:$0x3FAB] =	sst s5  }
0xe: {  	[smem:$0x3FAC] =	sst s6  }
0xf: {  	[smem:$0x3FAD] =	sst s7  }
0x10: {  	[smem:$0x3FAE] =	sst s8  }
0x11: {  	[smem:$0x3FAF] =	sst s9;
	s0 =	simm.s32 @!p0 $0x0  }
0x12: {  	s1 =	sld [smem:$0x3F95];
	s0 =	simm.s32 @p0 $0x1  }
0x13: {  	[smem:$0x3FB0] =	sst s0;
	s0 =	simm.s32 @!p1 $0x0  }
0x14: {  	s2 =	sld [smem:$0x3F94];
	s0 =	simm.s32 @p1 $0x1  }
0x15: {  	[smem:$0x3FB1] =	sst s0;
	s0 =	simm.s32 @!p2 $0x0  }
0x16: {  	s3 =	sld [smem:$0x3FDB];
	s0 =	simm.s32 @p2 $0x1  }
0x17: {  	s4 =	simm.s32 $0x1BF5;
	[smem:$0x3FB3] =	sst s0  }
0x18: {  	s0 =	sld [smem:$0x3F96];
	_ =	swait.ge [sflag:s4], $0x0  }
0x19: {  	s7 =	sld [smem:$0x3F97]  }
0x1a: {  	s8 =	sadd.s32 $0xFFFFE003, lr  }
0x1b: {  	s9 =	sadd.s32 $0xFFFFFEF7, lr;
	s5 =	simm.s32 $0xFFFFFFFF;
	p2 =	slt.u32 s8, $0xFFFFF086  }
0x1c: {  	p1 =	slt.u32 s9, $0xF7A;
	s5 =	simm.s32 @!p2 $0x0  }
0x1d: {  	s5 =	simm.s32 @p1 $0x1;
	p0 =	seq.s32 s7, s2  }
0x1e: {  	s7 =	smul.u32 @!p0 $0xF7A, s2;
	p2 =	seq.s32 @!p0 s5, $0x0  }
0x1f: {  	s9 =	smul.u32 $0xF7A, s1;
	s8 =	simm.s32 @!p0 $0x1BF5;
	p2 =	por !p2, p0  }
0x20: {  	[sflag:s8] =	ssyncset.s32 @!p0 $0xFFFFF086;
	s6 =	sadd.s32 @!p0 s3, s7;
	s7 =	simm.s32 @!p0 $0x108  }
0x21: {  	s3 =	sadd.s32 s3, s9;
	s6 =	sadd.s32 @!p0 $0x88, s6;
	s7 =	simm.s32 @p2 $0x1082  }
0x22: {  	[simem:s7], [sflag:s8] =	dma.local @!p0 [hbm:s6], $0xF7A  }
0x23: {  	s9 =	sor.u32 $0xD0000000, s2;
	s6 =	simm.s32 $0x108;
	_ =	swait.ge @!p0 [sflag:s8], $0x0  }
0x24: {  	s3 =	sadd.s32 $0x88, s3;
	s6 =	simm.s32 @!p1 $0x1082;
	[sflag:s4] =	ssyncset.s32 $0xFFFFF086  }
0x25: {  	[simem:s6], [sflag:s4] =	dma.local [hbm:s3], $0xF7A  }
0x26: {  	[smem:$0x3F97] =	sst s1;
	(tag) =	ssettag s2;
	_ =	strace s9  }
0x27: {  	s1 =	sld [smem:$0x3FA7]  }
0x28: {  	s2 =	sld [smem:$0x3FA8]  }
0x29: {  	s4 =	sld [smem:$0x3FAA]  }
0x2a: {  	p0 =	seq.s32 s5, $0x0;
	s5 =	sld [smem:$0x3FAB]  }
0x2b: {  	s6 =	sld [smem:$0x3FAC]  }
0x2c: {  	s7 =	sld [smem:$0x3FAD]  }
0x2d: {  	s3 =	simm.s32 $0x108;
	s8 =	sld [smem:$0x3FAE]  }
0x2e: {  	s3 =	simm.s32 @!p0 $0x1082;
	s9 =	sld [smem:$0x3FAF]  }
0x2f: {  	lr =	sadd.s32 s0, s3;
	s0 =	sld [smem:$0x3FA6]  }
0x30: {  	s3 =	sld [smem:$0x3FA9]  }
0x31: {  	[smem:$0x3FB2] =	sst s10  }
0x32: {  	s10 =	sld [smem:$0x3FB0];
	_ =	sdelay $0x3  }
0x33: {  	p0 =	seq.s32 s10, $0x1;
	s10 =	sld [smem:$0x3FB2];
	_ =	sdelay $0x3  }
0x34: {  	[smem:$0x3FB2] =	sst s10  }
0x35: {  	s10 =	sld [smem:$0x3FB1];
	_ =	sdelay $0x3  }
0x36: {  	p1 =	seq.s32 s10, $0x1;
	s10 =	sld [smem:$0x3FB2];
	_ =	sdelay $0x3  }
0x37: {  	[smem:$0x3FB2] =	sst s10  }
0x38: {  	s10 =	sld [smem:$0x3FB3]  }
0x39: {  	_ = 	snop;
	(pc) =	sbr.ind lr, $3  }
0x3a: {  	_ = 	snop  }
0x3b: {  	_ = 	snop  }
0x3c: {  	p2 =	seq.s32 s10, $0x1;
	s10 =	sld [smem:$0x3FB2]  }
0x3d: {  	_ =	shalt  }
0x3e: {  	_ =	shalt  }
0x3f: {  	_ =	shalt  }
0x40: {  	_ =	shalt  }
0x41: {  	_ =	shalt  }
0x42: {  	_ =	shalt  }
0x43: {  	_ =	shalt  }
0x44: {  	_ =	shalt  }
0x45: {  	_ =	shalt  }
0x46: {  	_ =	shalt  }
0x47: {  	_ =	shalt  }
0x48: {  	_ =	shalt  }
0x49: {  	_ =	shalt  }
0x4a: {  	_ =	shalt  }
0x4b: {  	_ =	shalt  }
0x4c: {  	_ =	shalt  }
0x4d: {  	_ =	shalt  }
0x4e: {  	_ =	shalt  }
0x4f: {  	_ =	shalt  }
0x50: {  	_ =	shalt  }
0x51: {  	_ =	shalt  }
0x52: {  	_ =	shalt  }
0x53: {  	_ =	shalt  }
0x54: {  	_ =	shalt  }
0x55: {  	_ =	shalt  }
0x56: {  	_ =	shalt  }
0x57: {  	_ =	shalt  }
0x58: {  	_ =	shalt  }
0x59: {  	_ =	shalt  }
0x5a: {  	_ =	shalt  }
0x5b: {  	_ =	shalt  }
0x5c: {  	_ =	shalt  }
0x5d: {  	_ =	shalt  }
0x5e: {  	_ =	shalt  }
0x5f: {  	_ =	shalt  }
0x60: {  	_ =	shalt  }
0x61: {  	_ =	shalt  }
0x62: {  	_ =	shalt  }
0x63: {  	_ =	shalt  }
0x64: {  	_ =	shalt  }
0x65: {  	_ =	shalt  }
0x66: {  	_ =	shalt  }
0x67: {  	_ =	shalt  }
0x68: {  	_ =	shalt  }
0x69: {  	_ =	shalt  }
0x6a: {  	_ =	shalt  }
0x6b: {  	_ =	shalt  }
0x6c: {  	_ =	shalt  }
0x6d: {  	_ =	shalt  }
0x6e: {  	_ =	shalt  }
0x6f: {  	_ =	shalt  }
0x70: {  	_ =	shalt  }
0x71: {  	_ =	shalt  }
0x72: {  	_ =	shalt  }
0x73: {  	_ =	shalt  }
0x74: {  	_ =	shalt  }
0x75: {  	_ =	shalt  }
0x76: {  	_ =	shalt  }
0x77: {  	_ =	shalt  }
0x78: {  	_ =	shalt  }
0x79: {  	_ =	shalt  }
0x7a: {  	_ =	shalt  }
0x7b: {  	_ =	shalt  }
0x7c: {  	_ =	shalt  }
0x7d: {  	_ =	shalt  }
0x7e: {  	_ =	shalt  }
0x7f: {  	_ =	shalt  }
0x80: {  	_ =	shalt  }
0x81: {  	_ =	shalt  }
0x82: {  	_ =	shalt  }
0x83: {  	_ =	shalt  }
0x84: {  	_ =	shalt  }
0x85: {  	_ =	shalt  }
0x86: {  	_ =	shalt  }
0x87: {  	_ =	shalt  }
.Lfunc_end0:
.L_simem_size_0:
called_computation_lowered:
.L_overlay_start_0:
0x88: {  	s2 =	sld [smem:$0x3FD9]  }
0x89: {  	s3 =	sld [smem:$0x3FFE];
	_ =	sdelay $0x1  }
0x8a: {  	s1 =	srdreg.scid  }
0x8b: {  	s0 =	sand.u32 $0x1, s1  }
0x8c: {  	s17 =	sshll.u32 s0, $0xA;
	s2 =	sadd.s32 s3, s2  }
0x8d: {  	s2 =	sadd.s32 s2, s17  }
0x8e: {  	[smem:$0x3FBE] =	sst s2  }
0x8f: {  	_ = 	snop  }
0x90: {  	s2 =	sld [smem:$0x3FC9]  }
0x91: {  	s18 =	sld [smem:$0x3FD0];
	(tm) =	ssettm $0x1  }
0x92: {  	s4 =	sld [smem:$0x3FFB];
	_ =	sdelay $0x3  }
0x93: {  	_ =	strace s4  }
0x94: {  	s4 =	sld [smem:$0x3FFC];
	_ =	sdelay $0x3  }
0x95: {  	_ =	strace s4  }
0x96: {  	s4 =	sld [smem:$0x3FFD];
	_ =	sdelay $0x3  }
0x97: {  	_ =	strace s4  }
0x98: {  	_ =	strace $0x8FFFFFFF  }
0x99: {  	s19 =	sld [smem:$0x3FDB];
	_ =	sdelay $0x1  }
0x9a: {  	s5 =	simm.s32 $_scs_section_size  }
0x9b: {  	s6 =	simm.s32 $_size__tile_overlayer_lowered;
	s7 =	simm.s32 $_tile_overlayer_lowered  }
0x9c: {  	s22 =	simm.s32 $0x1BFF;
	s21 =	sshll.u32 s7, $0x1;
	s4 =	sadd.s32 s5, s19  }
0x9d: {  	s8 =	simm.s32 $0x0;
	s20 =	sshll.u32 s6, $0x1;
	s6 =	sadd.s32 s21, s4  }
0x9e: {  	[timem:s8], [sflag:s22] =	dma.local [hbm:s6], s20  }
0x9f: {  	_ =	swait.ge [sflag:s22], s20  }
0xa0: {  	s5 =	ssub.s32 $0x0, s20;
	[sflag:s22] =	ssyncset.done $0x0  }
0xa1: {  	[sflag:s22] =	ssyncadd.s32 s5;
	_ =	sdelay $0x1  }
0xa2: {  	s23 =	simm.s32 $0x1B8B  }
0xa3: {  	_ =	swait.ge [sflag:s23], $0x1  }
0xa4: {  	[sflag:s23] =	ssyncset.done $0x0  }
0xa5: {  	s25 =	simm.s32 $0x1B8E;
	s24 =	sld [smem:$0x3FFE];
	[sflag:s23] =	ssyncadd.s32 $0xFFFFFFFF  }
0xa6: {  	s26 =	simm.s32 $execute0_lowered;
	[smem:$0x3FD2] =	sst s25  }
0xa7: {  	s6 =	sshll.u32 s26, $0x1;
	_ =	strace $0x80000046;
	[dreg:$0x1] =	wrdreg $0xFFFFFFFF  }
0xa8: {  	s28 =	simm.s32 $_size_execute0_lowered;
	s4 =	sadd.s32 s4, s6;
	[dreg:$0x0] =	wrdreg $0x0  }
0xa9: {  	s6 =	sshll.u32 s28, $0x1;
	[dreg:$0x2] =	wrdreg s4  }
0xaa: {  	[dreg:$0x3] =	wrdreg s6  }
0xab: {  	[dreg:$0x4] =	wrdreg $0xC0  }
0xac: {  	_ =	task [dreg:s8], $0x5FFFF  }
0xad: {  	[dreg:$0x1] =	wrdreg $0xFFFFFFFF  }
0xae: {  	[dreg:$0x0] =	wrdreg $0x60  }
0xaf: {  	[dreg:$0x2] =	wrdreg s2  }
0xb0: {  	[dreg:$0x3] =	wrdreg s24  }
0xb1: {  	[dreg:$0x4] =	wrdreg s18  }
0xb2: {  	[dreg:$0x5] =	wrdreg $0xA4000  }
0xb3: {  	[dreg:$0x6] =	wrdreg $0x9  }
0xb4: {  	_ =	task.clear_ibuf [dreg:s8], $0x7FFFF;
	_ =	strace $0x90000046  }
0xb5: {  	s29 =	simm.s32 $0x9;
	_ =	strace $0x80000048  }
0xb6: {  	_ =	swait.ge [sflag:s29], $0x1  }
0xb7: {  	[sflag:s29] =	ssyncadd.s32 $0xFFFFFFFF  }
0xb8: {  	_ =	strace $0x90000048  }
0xb9: {  	_ =	sfence  }
0xba: {  	s30 =	sld [smem:$0x0];
	_ =	sdelay $0x2  }
0xbb: {  	s31 =	sshll.u32 s1, $0xD;
	s1 =	sshrl.u32 s1, $0x2  }
0xbc: {  	s3 =	sand.u32 $0x4000, s31;
	s1 =	sadd.s32 s1, s30  }
0xbd: {  	s0 =	sor.u32 s3, s0;
	s1 =	sshll.u32 s1, $0x11  }
0xbe: {  	s0 =	sor.u32 s1, s0  }
0xbf: {  	s0 =	sadd.s32 $0x8F2B, s0  }
0xc0: {  	[sflag:s0] =	ssyncadd.remote.s32 $0x1  }
0xc1: {  	_ =	sfence.sel $0xFFFF  }
0xc2: {  	[dreg:$0x0] =	wrdreg $0xFFFFFFFF;
	(pc) =	sbr.abs _section_cstart, $3  }
0xc3: {  	[dreg:$0x1] =	wrdreg $0xFFFFFFFF  }
0xc4: {  	_ =	task.clear_ibuf [dreg:s8], $0x2FFFF;
	_ =	strace $0x9FFFFFFF  }
0xc5: {  	(tm) =	ssettm $0x7FFFFFFF  }
tec
execute0_lowered:
.L_overlay_start_1:
0x0: {  	(tag) =	ssettag $0x1  }
0x1: {  	s1 =	rddreg [dreg:$0x0]  }
0x2: {  	s0 =	rddreg [dreg:$0x1]  }
0x3: {  	s2 =	rddreg [dreg:$0x2];
	s12 =	stileid.u32  }
0x4: {  	s3 =	rddreg [dreg:$0x3];
	s6 =	smul.u32 $0x13C00, s12  }
0x5: {  	s5 =	srdreg.scid;
	s4 =	simm.s32 $0x0;
	s11 =	smul.u32 $0x4F000, s12  }
0x6: {  	s31 =	simm.s32 $0x8;
	s5 =	sand.u32 $0x1, s5;
	s30 =	smul.u32 $0x2710, s12  }
0x7: {  	[smem:$0x7FF] =	sst s4;
	s8 =	sadd.s32 $0xE00, s0;
	s7 =	smul.u32 $0x13C000, s5  }
0x8: {  	_ =	strace $0x80000047;
	s25 =	sshll.u32 s5, $0x4;
	s10 =	ssub.s32 $0x2, s5  }
0x9: {  	s5 =	smul.u32 $0x27100, s5;
	s9 =	sshrl.u32 s6, $0x3;
	s26 =	sshrl.u32 s10, $0x1  }
0xa: {  	s28 =	sshrl.u32 s11, $0x2;
	s6 =	sadd.s32 s6, s7;
	s24 =	sadd.s32 s9, s0  }
0xb: {  	s9 =	sor.u32 s12, s25;
	s12 =	sshll.u32 s12, $0x6;
	s5 =	sadd.s32 s30, s5  }
0xc: {  	s6 =	sshrl.u32 s6, $0x3;
	s9 =	smul.u32 $0x2710, s9;
	s7 =	sadd.s32 $0xAC00, s24  }
0xd: {  	s20 =	sor.u32 $0x1C19, s12;
	s16 =	sshrl.u32 s5, $0x3;
	s11 =	sadd.s32 $0x78, s5  }
0xe: {  	s21 =	sadd.s32 $0x50, s5;
	s5 =	sadd.s32 $0x28, s5;
	s0 =	sadd.s32 s6, s0  }
0xf: {  	s6 =	ssub.s32 s10, s26;
	s10 =	sadd.s32 s28, s3;
	[dreg:$0xe] =	wrdreg s7  }
0x10: {  	s17 =	sadd.s32 s16, s2;
	s18 =	sshrl.u32 s11, $0x3;
	[dreg:$0xf] =	wrdreg s20  }
0x11: {  	s23 =	sshrl.u32 s21, $0x3;
	[dreg:$0xd] =	wrdreg s10;
	s29 =	sshrl.u32 s9, $0x3  }
0x12: {  	s15 =	sadd.s32 $0x26E8, s9;
	[dreg:$0x5] =	wrdreg s17;
	s9 =	sadd.s32 s16, s8  }
0x13: {  	s5 =	sshrl.u32 s5, $0x3;
	s19 =	sadd.s32 s18, s2;
	[dreg:$0x6] =	wrdreg s9  }
0x14: {  	s21 =	simm.s32 $0x19;
	s22 =	sadd.s32 s18, s8;
	[dreg:$0x7] =	wrdreg s19  }
0x15: {  	s11 =	simm.s32 $0x16;
	s24 =	sadd.s32 s23, s2;
	[dreg:$0x8] =	wrdreg s22  }
0x16: {  	s25 =	sadd.s32 s23, s8;
	s28 =	sadd.s32 s5, s2;
	[dreg:$0x9] =	wrdreg s24  }
0x17: {  	s0 =	sadd.s32 $0x32400, s0;
	s30 =	smax.u32 s6, $0x1;
	[dreg:$0xa] =	wrdreg s25  }
0x18: {  	s6 =	simm.s32 $0x15;
	s16 =	simm.s32 $0x17;
	[dreg:$0xb] =	wrdreg s28  }
0x19: {  	s17 =	simm.s32 $0x14;
	s18 =	simm.s32 $0x18;
	[dreg:$0x14] =	wrdreg s0  }
0x1a: {  	s10 =	sadd.s32 $0x4D8, s29;
	s29 =	sadd.s32 s5, s8;
	[dreg:$0x15] =	wrdreg s30  }
0x1b: {  	s7 =	sshrl.u32 s15, $0x3;
	s13 =	sadd.s32 s8, s10;
	[dreg:$0xc] =	wrdreg s29  }
0x1c: {  	s24 =	simm.s32 $0x28;
	s14 =	sadd.s32 s2, s10;
	[dreg:$0x10] =	wrdreg s13  }
0x1d: {  	s5 =	simm.s32 $0x11;
	s26 =	sadd.s32 s8, s7;
	[dreg:$0x11] =	wrdreg s14  }
0x1e: {  	s15 =	simm.s32 $0x13;
	s2 =	sadd.s32 s2, s7;
	[dreg:$0x12] =	wrdreg s26  }
0x1f: {  	s0 =	simm.s32 $0x0;
	s10 =	simm.s32 $0x12;
	[dreg:$0x13] =	wrdreg s2  }
.LBB2_1:
0x20: {  	[dreg:$0x16] =	wrdreg s0  }
0x21: {  	s19 =	rddreg [dreg:$0xd]  }
0x22: {  	s26 =	rddreg [dreg:$0xe];
	s25 =	sshrl.u32 s19, $0x3  }
0x23: {  	[dreg:$0x17] =	wrdreg s25  }
0x24: {  	[spmem:s25], [sflag:s20] =	dma.local [hbm:s26], $0x2780  }
0x25: {  	_ =	swait.ge [sflag:s21], $0x2780  }
0x26: {  	[sflag:s21] =	ssyncset.done $0x0  }
0x27: {  	[sflag:s21] =	ssyncadd.s32 $0xFFFFD880  }
0x28: {  	[bflag:$0x0] =	sbarrier.arrive $0xFFFF  }
0x29: {  	s28 =	rddreg [dreg:$0x6]  }
0x2a: {  	s29 =	rddreg [dreg:$0x5];
	s19 =	sadd.s32 $0x0, s28  }
0x2b: {  	[tilespmem:s4], [sflag:$0x9] =	stream.linear.gather [hbm4b:s19+s4], $0x28, $0x38;
	[tilespmem:$0x1E000] =	vst v63  }
0x2c: {  	s22 =	simm.s32 $0x200;
	s30 =	rddreg [dreg:$0xc];
	s0 =	sadd.s32 $0x0, s29  }
0x2d: {  	[tilespmem:s22], [sflag:$0xD] =	stream.linear.gather [hbm4b:s0+s4], $0x28, $0x38;
	[tilespmem:$0x1E000] =	vst v63  }
0x2e: {  	s2 =	rddreg [dreg:$0xb];
	s7 =	sadd.s32 $0x0, s30;
	s0 =	simm.s32 $0x80  }
0x2f: {  	[tilespmem:s0], [sflag:$0xA] =	stream.linear.gather [hbm4b:s7+s4], $0x28, $0x38;
	[tilespmem:$0x1E000] =	vst v63  }
0x30: {  	s8 =	rddreg [dreg:$0xa];
	s9 =	sadd.s32 $0x0, s2;
	s2 =	simm.s32 $0x280  }
0x31: {  	[tilespmem:s2], [sflag:$0xE] =	stream.linear.gather [hbm4b:s9+s4], $0x28, $0x38;
	[tilespmem:$0x1E000] =	vst v63  }
0x32: {  	s12 =	rddreg [dreg:$0x9];
	s13 =	sadd.s32 $0x0, s8;
	s8 =	simm.s32 $0x100  }
0x33: {  	[tilespmem:s8], [sflag:$0xB] =	stream.linear.gather [hbm4b:s13+s4], $0x28, $0x38;
	[tilespmem:$0x1E000] =	vst v63  }
0x34: {  	s14 =	rddreg [dreg:$0x8];
	s20 =	sadd.s32 $0x0, s12;
	s9 =	simm.s32 $0x300  }
0x35: {  	[tilespmem:s9], [sflag:$0xF] =	stream.linear.gather [hbm4b:s20+s4], $0x28, $0x38;
	[tilespmem:$0x1E000] =	vst v63  }
0x36: {  	s21 =	simm.s32 $0x180;
	s23 =	rddreg [dreg:$0x7];
	s25 =	sadd.s32 $0x0, s14  }
0x37: {  	[tilespmem:s21], [sflag:$0xC] =	stream.linear.gather [hbm4b:s25+s4], $0x28, $0x38;
	[tilespmem:$0x1E000] =	vst v63  }
0x38: {  	s26 =	sadd.s32 $0x0, s23;
	s28 =	simm.s32 $0x9;
	s20 =	simm.s32 $0x380  }
0x39: {  	[tilespmem:s20], [sflag:$0x10] =	stream.linear.gather [hbm4b:s26+s4], $0x28, $0x38;
	[tilespmem:$0x1E000] =	vst v63  }
0x3a: {  	_ =	swait.ge [sflag:s28], $0x28  }
0x3b: {  	[sflag:s28] =	ssyncset.done $0x0  }
0x3c: {  	s29 =	simm.s32 $0xD;
	[sflag:s28] =	ssyncadd.s32 $0xFFFFFFD8  }
0x3d: {  	_ =	swait.ge [sflag:s29], $0x28  }
0x3e: {  	[sflag:s29] =	ssyncset.done $0x0  }
0x3f: {  	s30 =	simm.s32 $0x400;
	[sflag:s29] =	ssyncadd.s32 $0xFFFFFFD8  }
0x40: {  	[tilespmem:s30], [sflag:$0x1] =	stream.indirect.gather [hbm4b:s1+s24], $0x80, s4, s24, $0xb8;
	[tilespmem:$0x1E000] =	vst v63  }
0x41: {  	s23 =	simm.s32 $0x5400;
	s28 =	simm.s32 $0xA  }
0x42: {  	[tilespmem:s23], [sflag:$0x5] =	stream.indirect.gather [hbm4b:s1+s24], $0x80, s22, s24, $0xb8;
	[tilespmem:$0x1E000] =	vst v63  }
0x43: {  	_ =	swait.ge [sflag:s28], $0x28  }
0x44: {  	[sflag:s28] =	ssyncset.done $0x0  }
0x45: {  	s12 =	simm.s32 $0xE;
	[sflag:s28] =	ssyncadd.s32 $0xFFFFFFD8  }
0x46: {  	_ =	swait.ge [sflag:s12], $0x28  }
0x47: {  	[sflag:s12] =	ssyncset.done $0x0  }
0x48: {  	[sflag:s12] =	ssyncadd.s32 $0xFFFFFFD8;
	s12 =	simm.s32 $0x1800  }
0x49: {  	[tilespmem:s12], [sflag:$0x2] =	stream.indirect.gather [hbm4b:s1+s24], $0x80, s0, s24, $0xb8;
	[tilespmem:$0x1E000] =	vst v63  }
0x4a: {  	s13 =	simm.s32 $0x6800;
	s25 =	simm.s32 $0xB  }
0x4b: {  	[tilespmem:s13], [sflag:$0x6] =	stream.indirect.gather [hbm4b:s1+s24], $0x80, s2, s24, $0xb8;
	[tilespmem:$0x1E000] =	vst v63  }
0x4c: {  	_ =	swait.ge [sflag:s25], $0x28  }
0x4d: {  	[sflag:s25] =	ssyncset.done $0x0  }
0x4e: {  	s7 =	simm.s32 $0xF;
	[sflag:s25] =	ssyncadd.s32 $0xFFFFFFD8  }
0x4f: {  	_ =	swait.ge [sflag:s7], $0x28  }
0x50: {  	[sflag:s7] =	ssyncset.done $0x0  }
0x51: {  	[sflag:s7] =	ssyncadd.s32 $0xFFFFFFD8;
	s7 =	simm.s32 $0x2C00  }
0x52: {  	[tilespmem:s7], [sflag:$0x3] =	stream.indirect.gather [hbm4b:s1+s24], $0x80, s8, s24, $0xb8;
	[tilespmem:$0x1E000] =	vst v63  }
0x53: {  	s14 =	simm.s32 $0x7C00;
	s26 =	simm.s32 $0xC  }
0x54: {  	[tilespmem:s14], [sflag:$0x7] =	stream.indirect.gather [hbm4b:s1+s24], $0x80, s9, s24, $0xb8;
	[tilespmem:$0x1E000] =	vst v63  }
0x55: {  	_ =	swait.ge [sflag:s26], $0x28  }
0x56: {  	[sflag:s26] =	ssyncset.done $0x0  }
0x57: {  	s25 =	simm.s32 $0x10;
	[sflag:s26] =	ssyncadd.s32 $0xFFFFFFD8  }
0x58: {  	_ =	swait.ge [sflag:s25], $0x28  }
0x59: {  	[sflag:s25] =	ssyncset.done $0x0  }
0x5a: {  	[sflag:s25] =	ssyncadd.s32 $0xFFFFFFD8;
	s25 =	simm.s32 $0x4000  }
0x5b: {  	[tilespmem:s25], [sflag:$0x4] =	stream.indirect.gather [hbm4b:s1+s24], $0x80, s21, s24, $0xb8;
	[tilespmem:$0x1E000] =	vst v63  }
0x5c: {  	s29 =	simm.s32 $0x1;
	s26 =	simm.s32 $0x9000  }
0x5d: {  	[tilespmem:s26], [sflag:$0x8] =	stream.indirect.gather [hbm4b:s1+s24], $0x80, s20, s24, $0xb8;
	[tilespmem:$0x1E000] =	vst v63  }
0x5e: {  	_ =	swait.ge [sflag:s29], $0x1400  }
0x5f: {  	[sflag:s29] =	ssyncset.done $0x0  }
0x60: {  	[sflag:s29] =	ssyncadd.s32 $0xFFFFEC00  }
0x61: {  	[spmem:s3] =	stream.indirect.scatter.add.f32 [tilespmem:s30], [sflag:$0x11], $0x80, s22, s24, $0xb8;
	[tilespmem:$0x1E000] =	vst v63  }
0x62: {  	s30 =	simm.s32 $0x5  }
0x63: {  	_ =	swait.ge [sflag:s30], $0x1400  }
0x64: {  	[sflag:s30] =	ssyncset.done $0x0  }
0x65: {  	s22 =	simm.s32 $0x2;
	[sflag:s30] =	ssyncadd.s32 $0xFFFFEC00  }
0x66: {  	[spmem:s3] =	stream.indirect.scatter.add.f32 [tilespmem:s23], [sflag:$0x15], $0x80, s4, s24, $0xb8;
	[tilespmem:$0x1E000] =	vst v63  }
0x67: {  	_ =	swait.ge [sflag:s22], $0x1400  }
0x68: {  	[sflag:s22] =	ssyncset.done $0x0  }
0x69: {  	s23 =	simm.s32 $0x6;
	[sflag:s22] =	ssyncadd.s32 $0xFFFFEC00  }
0x6a: {  	[spmem:s3] =	stream.indirect.scatter.add.f32 [tilespmem:s12], [sflag:$0x12], $0x80, s2, s24, $0xb8;
	[tilespmem:$0x1E000] =	vst v63  }
0x6b: {  	_ =	swait.ge [sflag:s23], $0x1400  }
0x6c: {  	[sflag:s23] =	ssyncset.done $0x0  }
0x6d: {  	s28 =	simm.s32 $0x3;
	[sflag:s23] =	ssyncadd.s32 $0xFFFFEC00  }
0x6e: {  	[spmem:s3] =	stream.indirect.scatter.add.f32 [tilespmem:s13], [sflag:$0x16], $0x80, s0, s24, $0xb8;
	[tilespmem:$0x1E000] =	vst v63  }
0x6f: {  	_ =	swait.ge [sflag:s28], $0x1400  }
0x70: {  	[sflag:s28] =	ssyncset.done $0x0  }
0x71: {  	s29 =	simm.s32 $0x7;
	[sflag:s28] =	ssyncadd.s32 $0xFFFFEC00  }
0x72: {  	[spmem:s3] =	stream.indirect.scatter.add.f32 [tilespmem:s7], [sflag:$0x13], $0x80, s9, s24, $0xb8;
	[tilespmem:$0x1E000] =	vst v63  }
0x73: {  	_ =	swait.ge [sflag:s29], $0x1400  }
0x74: {  	[sflag:s29] =	ssyncset.done $0x0  }
0x75: {  	s30 =	simm.s32 $0x4;
	[sflag:s29] =	ssyncadd.s32 $0xFFFFEC00  }
0x76: {  	[spmem:s3] =	stream.indirect.scatter.add.f32 [tilespmem:s14], [sflag:$0x17], $0x80, s8, s24, $0xb8;
	[tilespmem:$0x1E000] =	vst v63  }
0x77: {  	_ =	swait.ge [sflag:s30], $0x1400  }
0x78: {  	[sflag:s30] =	ssyncset.done $0x0  }
0x79: {  	[sflag:s30] =	ssyncadd.s32 $0xFFFFEC00  }
0x7a: {  	[spmem:s3] =	stream.indirect.scatter.add.f32 [tilespmem:s25], [sflag:$0x14], $0x80, s20, s24, $0xb8;
	[tilespmem:$0x1E000] =	vst v63  }
0x7b: {  	_ =	swait.ge [sflag:s31], $0x1400  }
0x7c: {  	[sflag:s31] =	ssyncset.done $0x0  }
0x7d: {  	[sflag:s31] =	ssyncadd.s32 $0xFFFFEC00  }
0x7e: {  	[spmem:s3] =	stream.indirect.scatter.add.f32 [tilespmem:s26], [sflag:$0x18], $0x80, s21, s24, $0xb8;
	[tilespmem:$0x1E000] =	vst v63  }
0x7f: {  	_ =	swait.ge [sflag:s5], $0x1400  }
0x80: {  	[sflag:s5] =	ssyncset.done $0x0  }
0x81: {  	[sflag:s5] =	ssyncadd.s32 $0xFFFFEC00  }
0x82: {  	_ =	swait.ge [sflag:s6], $0x1400  }
0x83: {  	[sflag:s6] =	ssyncset.done $0x0  }
0x84: {  	[sflag:s6] =	ssyncadd.s32 $0xFFFFEC00  }
0x85: {  	_ =	swait.ge [sflag:s10], $0x1400  }
0x86: {  	[sflag:s10] =	ssyncset.done $0x0  }
0x87: {  	[sflag:s10] =	ssyncadd.s32 $0xFFFFEC00  }
0x88: {  	_ =	swait.ge [sflag:s11], $0x1400  }
0x89: {  	[sflag:s11] =	ssyncset.done $0x0  }
0x8a: {  	[sflag:s11] =	ssyncadd.s32 $0xFFFFEC00  }
0x8b: {  	_ =	swait.ge [sflag:s15], $0x1400  }
0x8c: {  	[sflag:s15] =	ssyncset.done $0x0  }
0x8d: {  	[sflag:s15] =	ssyncadd.s32 $0xFFFFEC00  }
0x8e: {  	_ =	swait.ge [sflag:s16], $0x1400  }
0x8f: {  	[sflag:s16] =	ssyncset.done $0x0  }
0x90: {  	[sflag:s16] =	ssyncadd.s32 $0xFFFFEC00  }
0x91: {  	_ =	swait.ge [sflag:s17], $0x1400  }
0x92: {  	[sflag:s17] =	ssyncset.done $0x0  }
0x93: {  	[sflag:s17] =	ssyncadd.s32 $0xFFFFEC00  }
0x94: {  	s19 =	simm.s32 $0x14;
	_ =	swait.ge [sflag:s18], $0x1400  }
0x95: {  	s20 =	simm.s32 $0x28;
	s21 =	rddreg [dreg:$0x6];
	[sflag:s18] =	ssyncset.done $0x0  }
.LBB2_2:
0x96: {  	[sflag:s18] =	ssyncadd.s32 $0xFFFFEC00;
	s23 =	rddreg [dreg:$0x5]  }
0x97: {  	s22 =	smov.u32 s20;
	s21 =	sadd.s32 s19, s21;
	s28 =	rddreg [dreg:$0xc]  }
0x98: {  	[tilespmem:s4], [sflag:$0x9] =	stream.linear.gather [hbm4b:s21+s4], $0x28, $0x38;
	[tilespmem:$0x1E000] =	vst v63  }
0x99: {  	s2 =	rddreg [dreg:$0xb];
	s29 =	simm.s32 $0x200;
	s0 =	sadd.s32 s19, s23  }
0x9a: {  	[tilespmem:s29], [sflag:$0xD] =	stream.linear.gather [hbm4b:s0+s4], $0x28, $0x38;
	[tilespmem:$0x1E000] =	vst v63  }
0x9b: {  	s8 =	rddreg [dreg:$0xa];
	s7 =	sadd.s32 s19, s28;
	s0 =	simm.s32 $0x80  }
0x9c: {  	[tilespmem:s0], [sflag:$0xA] =	stream.linear.gather [hbm4b:s7+s4], $0x28, $0x38;
	[tilespmem:$0x1E000] =	vst v63  }
0x9d: {  	s12 =	rddreg [dreg:$0x9];
	s9 =	sadd.s32 s19, s2;
	s2 =	simm.s32 $0x280  }
0x9e: {  	[tilespmem:s2], [sflag:$0xE] =	stream.linear.gather [hbm4b:s9+s4], $0x28, $0x38;
	[tilespmem:$0x1E000] =	vst v63  }
0x9f: {  	s14 =	rddreg [dreg:$0x8];
	s13 =	sadd.s32 s19, s8;
	s8 =	simm.s32 $0x100  }
0xa0: {  	[tilespmem:s8], [sflag:$0xB] =	stream.linear.gather [hbm4b:s13+s4], $0x28, $0x38;
	[tilespmem:$0x1E000] =	vst v63  }
0xa1: {  	s26 =	rddreg [dreg:$0x7];
	s25 =	sadd.s32 s19, s12;
	s9 =	simm.s32 $0x300  }
0xa2: {  	[tilespmem:s9], [sflag:$0xF] =	stream.linear.gather [hbm4b:s25+s4], $0x28, $0x38;
	[tilespmem:$0x1E000] =	vst v63  }
0xa3: {  	s30 =	sadd.s32 s19, s14;
	s28 =	simm.s32 $0x180;
	s12 =	simm.s32 $0x9  }
0xa4: {  	[tilespmem:s28], [sflag:$0xC] =	stream.linear.gather [hbm4b:s30+s4], $0x28, $0x38;
	[tilespmem:$0x1E000] =	vst v63  }
0xa5: {  	s7 =	sadd.s32 s19, s26;
	s19 =	smov.u32 s22;
	s22 =	simm.s32 $0x380  }
0xa6: {  	[tilespmem:s22], [sflag:$0x10] =	stream.linear.gather [hbm4b:s7+s4], $0x28, $0x38;
	[tilespmem:$0x1E000] =	vst v63  }
0xa7: {  	_ =	swait.ge [sflag:s12], $0x28  }
0xa8: {  	[sflag:s12] =	ssyncset.done $0x0  }
0xa9: {  	s13 =	simm.s32 $0xD;
	[sflag:s12] =	ssyncadd.s32 $0xFFFFFFD8  }
0xaa: {  	_ =	swait.ge [sflag:s13], $0x28  }
0xab: {  	[sflag:s13] =	ssyncset.done $0x0  }
0xac: {  	s21 =	simm.s32 $0x400;
	[sflag:s13] =	ssyncadd.s32 $0xFFFFFFD8  }
0xad: {  	[tilespmem:s21], [sflag:$0x1] =	stream.indirect.gather [hbm4b:s1+s24], $0x80, s4, s24, $0xb8;
	[tilespmem:$0x1E000] =	vst v63  }
0xae: {  	s23 =	simm.s32 $0x5400;
	s12 =	simm.s32 $0xA  }
0xaf: {  	[tilespmem:s23], [sflag:$0x5] =	stream.indirect.gather [hbm4b:s1+s24], $0x80, s29, s24, $0xb8;
	[tilespmem:$0x1E000] =	vst v63  }
0xb0: {  	_ =	swait.ge [sflag:s12], $0x28  }
0xb1: {  	[sflag:s12] =	ssyncset.done $0x0  }
0xb2: {  	s14 =	simm.s32 $0xE;
	[sflag:s12] =	ssyncadd.s32 $0xFFFFFFD8  }
0xb3: {  	_ =	swait.ge [sflag:s14], $0x28  }
0xb4: {  	[sflag:s14] =	ssyncset.done $0x0  }
0xb5: {  	s12 =	simm.s32 $0x1800;
	[sflag:s14] =	ssyncadd.s32 $0xFFFFFFD8  }
0xb6: {  	[tilespmem:s12], [sflag:$0x2] =	stream.indirect.gather [hbm4b:s1+s24], $0x80, s0, s24, $0xb8;
	[tilespmem:$0x1E000] =	vst v63  }
0xb7: {  	s7 =	simm.s32 $0xB;
	s13 =	simm.s32 $0x6800  }
0xb8: {  	[tilespmem:s13], [sflag:$0x6] =	stream.indirect.gather [hbm4b:s1+s24], $0x80, s2, s24, $0xb8;
	[tilespmem:$0x1E000] =	vst v63  }
0xb9: {  	_ =	swait.ge [sflag:s7], $0x28  }
0xba: {  	[sflag:s7] =	ssyncset.done $0x0  }
0xbb: {  	s25 =	simm.s32 $0xF;
	[sflag:s7] =	ssyncadd.s32 $0xFFFFFFD8  }
0xbc: {  	_ =	swait.ge [sflag:s25], $0x28  }
0xbd: {  	[sflag:s25] =	ssyncset.done $0x0  }
0xbe: {  	s7 =	simm.s32 $0x2C00;
	[sflag:s25] =	ssyncadd.s32 $0xFFFFFFD8  }
0xbf: {  	[tilespmem:s7], [sflag:$0x3] =	stream.indirect.gather [hbm4b:s1+s24], $0x80, s8, s24, $0xb8;
	[tilespmem:$0x1E000] =	vst v63  }
0xc0: {  	s14 =	simm.s32 $0x7C00;
	s25 =	simm.s32 $0xC  }
0xc1: {  	[tilespmem:s14], [sflag:$0x7] =	stream.indirect.gather [hbm4b:s1+s24], $0x80, s9, s24, $0xb8;
	[tilespmem:$0x1E000] =	vst v63  }
0xc2: {  	_ =	swait.ge [sflag:s25], $0x28  }
0xc3: {  	[sflag:s25] =	ssyncset.done $0x0  }
0xc4: {  	s26 =	simm.s32 $0x10;
	[sflag:s25] =	ssyncadd.s32 $0xFFFFFFD8  }
0xc5: {  	_ =	swait.ge [sflag:s26], $0x28  }
0xc6: {  	[sflag:s26] =	ssyncset.done $0x0  }
0xc7: {  	s25 =	simm.s32 $0x4000;
	[sflag:s26] =	ssyncadd.s32 $0xFFFFFFD8  }
0xc8: {  	[tilespmem:s25], [sflag:$0x4] =	stream.indirect.gather [hbm4b:s1+s24], $0x80, s28, s24, $0xb8;
	[tilespmem:$0x1E000] =	vst v63  }
0xc9: {  	s30 =	simm.s32 $0x1;
	s26 =	simm.s32 $0x9000  }
0xca: {  	[tilespmem:s26], [sflag:$0x8] =	stream.indirect.gather [hbm4b:s1+s24], $0x80, s22, s24, $0xb8;
	[tilespmem:$0x1E000] =	vst v63  }
0xcb: {  	_ =	swait.ge [sflag:s30], $0x1400  }
0xcc: {  	[sflag:s30] =	ssyncset.done $0x0  }
0xcd: {  	[sflag:s30] =	ssyncadd.s32 $0xFFFFEC00  }
0xce: {  	[spmem:s3] =	stream.indirect.scatter.add.f32 [tilespmem:s21], [sflag:$0x11], $0x80, s29, s24, $0xb8;
	[tilespmem:$0x1E000] =	vst v63  }
0xcf: {  	s29 =	simm.s32 $0x5  }
0xd0: {  	_ =	swait.ge [sflag:s29], $0x1400  }
0xd1: {  	[sflag:s29] =	ssyncset.done $0x0  }
0xd2: {  	s30 =	simm.s32 $0x2;
	[sflag:s29] =	ssyncadd.s32 $0xFFFFEC00  }
0xd3: {  	[spmem:s3] =	stream.indirect.scatter.add.f32 [tilespmem:s23], [sflag:$0x15], $0x80, s4, s24, $0xb8;
	[tilespmem:$0x1E000] =	vst v63  }
0xd4: {  	_ =	swait.ge [sflag:s30], $0x1400  }
0xd5: {  	[sflag:s30] =	ssyncset.done $0x0  }
0xd6: {  	s21 =	simm.s32 $0x6;
	[sflag:s30] =	ssyncadd.s32 $0xFFFFEC00  }
0xd7: {  	[spmem:s3] =	stream.indirect.scatter.add.f32 [tilespmem:s12], [sflag:$0x12], $0x80, s2, s24, $0xb8;
	[tilespmem:$0x1E000] =	vst v63  }
0xd8: {  	_ =	swait.ge [sflag:s21], $0x1400  }
0xd9: {  	[sflag:s21] =	ssyncset.done $0x0  }
0xda: {  	s23 =	simm.s32 $0x3;
	[sflag:s21] =	ssyncadd.s32 $0xFFFFEC00  }
0xdb: {  	[spmem:s3] =	stream.indirect.scatter.add.f32 [tilespmem:s13], [sflag:$0x16], $0x80, s0, s24, $0xb8;
	[tilespmem:$0x1E000] =	vst v63  }
0xdc: {  	_ =	swait.ge [sflag:s23], $0x1400  }
0xdd: {  	[sflag:s23] =	ssyncset.done $0x0  }
0xde: {  	s29 =	simm.s32 $0x7;
	[sflag:s23] =	ssyncadd.s32 $0xFFFFEC00  }
0xdf: {  	[spmem:s3] =	stream.indirect.scatter.add.f32 [tilespmem:s7], [sflag:$0x13], $0x80, s9, s24, $0xb8;
	[tilespmem:$0x1E000] =	vst v63  }
0xe0: {  	_ =	swait.ge [sflag:s29], $0x1400  }
0xe1: {  	[sflag:s29] =	ssyncset.done $0x0  }
0xe2: {  	s30 =	simm.s32 $0x4;
	[sflag:s29] =	ssyncadd.s32 $0xFFFFEC00  }
0xe3: {  	[spmem:s3] =	stream.indirect.scatter.add.f32 [tilespmem:s14], [sflag:$0x17], $0x80, s8, s24, $0xb8;
	[tilespmem:$0x1E000] =	vst v63  }
0xe4: {  	_ =	swait.ge [sflag:s30], $0x1400  }
0xe5: {  	[sflag:s30] =	ssyncset.done $0x0  }
0xe6: {  	[sflag:s30] =	ssyncadd.s32 $0xFFFFEC00  }
0xe7: {  	[spmem:s3] =	stream.indirect.scatter.add.f32 [tilespmem:s25], [sflag:$0x14], $0x80, s22, s24, $0xb8;
	[tilespmem:$0x1E000] =	vst v63  }
0xe8: {  	_ =	swait.ge [sflag:s31], $0x1400  }
0xe9: {  	[sflag:s31] =	ssyncset.done $0x0  }
0xea: {  	[sflag:s31] =	ssyncadd.s32 $0xFFFFEC00  }
0xeb: {  	[spmem:s3] =	stream.indirect.scatter.add.f32 [tilespmem:s26], [sflag:$0x18], $0x80, s28, s24, $0xb8;
	[tilespmem:$0x1E000] =	vst v63  }
0xec: {  	_ =	swait.ge [sflag:s5], $0x1400  }
0xed: {  	[sflag:s5] =	ssyncset.done $0x0  }
0xee: {  	[sflag:s5] =	ssyncadd.s32 $0xFFFFEC00  }
0xef: {  	_ =	swait.ge [sflag:s6], $0x1400  }
0xf0: {  	[sflag:s6] =	ssyncset.done $0x0  }
0xf1: {  	[sflag:s6] =	ssyncadd.s32 $0xFFFFEC00  }
0xf2: {  	_ =	swait.ge [sflag:s10], $0x1400  }
0xf3: {  	[sflag:s10] =	ssyncset.done $0x0  }
0xf4: {  	[sflag:s10] =	ssyncadd.s32 $0xFFFFEC00  }
0xf5: {  	_ =	swait.ge [sflag:s11], $0x1400  }
0xf6: {  	[sflag:s11] =	ssyncset.done $0x0  }
0xf7: {  	[sflag:s11] =	ssyncadd.s32 $0xFFFFEC00  }
0xf8: {  	_ =	swait.ge [sflag:s15], $0x1400  }
0xf9: {  	[sflag:s15] =	ssyncset.done $0x0  }
0xfa: {  	[sflag:s15] =	ssyncadd.s32 $0xFFFFEC00  }
0xfb: {  	_ =	swait.ge [sflag:s16], $0x1400  }
0xfc: {  	[sflag:s16] =	ssyncset.done $0x0  }
0xfd: {  	p0 =	sne.s32 s20, $0x4C4;
	[sflag:s16] =	ssyncadd.s32 $0xFFFFEC00  }
.Ltmp0:
0xfe: {  	_ =	swait.ge [sflag:s17], $0x1400;
	(pc) =	sbr.rel @p0 .LBB2_2-.Ltmp0, $4  }
0xff: {  	[sflag:s17] =	ssyncset.done $0x0  }
0x100: {  	[sflag:s17] =	ssyncadd.s32 $0xFFFFEC00  }
0x101: {  	_ =	swait.ge [sflag:s18], $0x1400  }
0x102: {  	s20 =	sadd.s32 $0x14, s20;
	s21 =	rddreg [dreg:$0x6];
	[sflag:s18] =	ssyncset.done $0x0  }
0x103: {  	s20 =	rddreg [dreg:$0x5];
	[sflag:s18] =	ssyncadd.s32 $0xFFFFEC00;
	s21 =	sadd.s32 s19, s21  }
0x104: {  	[tilespmem:s4], [sflag:$0x9] =	stream.linear.gather [hbm4b:s21+s4], $0x28, $0x38;
	[tilespmem:$0x1E000] =	vst v63  }
0x105: {  	s25 =	rddreg [dreg:$0xc];
	s22 =	simm.s32 $0x200;
	s20 =	sadd.s32 s19, s20  }
0x106: {  	[tilespmem:s22], [sflag:$0xD] =	stream.linear.gather [hbm4b:s20+s4], $0x28, $0x38;
	[tilespmem:$0x1E000] =	vst v63  }
0x107: {  	s26 =	rddreg [dreg:$0xb];
	s0 =	simm.s32 $0x80;
	s21 =	sadd.s32 s19, s25  }
0x108: {  	[tilespmem:s0], [sflag:$0xA] =	stream.linear.gather [hbm4b:s21+s4], $0x28, $0x38;
	[tilespmem:$0x1E000] =	vst v63  }
0x109: {  	s28 =	rddreg [dreg:$0xa];
	s23 =	simm.s32 $0x280;
	s20 =	sadd.s32 s19, s26  }
0x10a: {  	[tilespmem:s23], [sflag:$0xE] =	stream.linear.gather [hbm4b:s20+s4], $0x28, $0x38;
	[tilespmem:$0x1E000] =	vst v63  }
0x10b: {  	s29 =	rddreg [dreg:$0x9];
	s30 =	simm.s32 $0x100;
	s21 =	sadd.s32 s19, s28  }
0x10c: {  	[tilespmem:s30], [sflag:$0xB] =	stream.linear.gather [hbm4b:s21+s4], $0x28, $0x38;
	[tilespmem:$0x1E000] =	vst v63  }
0x10d: {  	s9 =	simm.s32 $0x300;
	s0 =	rddreg [dreg:$0x8];
	s20 =	sadd.s32 s19, s29  }
0x10e: {  	[tilespmem:s9], [sflag:$0xF] =	stream.linear.gather [hbm4b:s20+s4], $0x28, $0x38;
	[tilespmem:$0x1E000] =	vst v63  }
0x10f: {  	s2 =	rddreg [dreg:$0x7];
	s8 =	simm.s32 $0x180;
	s21 =	sadd.s32 s19, s0  }
0x110: {  	[tilespmem:s8], [sflag:$0xC] =	stream.linear.gather [hbm4b:s21+s4], $0x28, $0x38;
	[tilespmem:$0x1E000] =	vst v63  }
0x111: {  	s12 =	sadd.s32 s19, s2;
	s20 =	simm.s32 $0x380;
	s21 =	simm.s32 $0x9  }
0x112: {  	[tilespmem:s20], [sflag:$0x10] =	stream.linear.gather [hbm4b:s12+s4], $0x28, $0x38;
	[tilespmem:$0x1E000] =	vst v63  }
0x113: {  	_ =	swait.ge [sflag:s21], $0x28  }
0x114: {  	[sflag:s21] =	ssyncset.done $0x0  }
0x115: {  	s28 =	simm.s32 $0xD;
	[sflag:s21] =	ssyncadd.s32 $0xFFFFFFD8  }
0x116: {  	_ =	swait.ge [sflag:s28], $0x28  }
0x117: {  	[sflag:s28] =	ssyncset.done $0x0  }
0x118: {  	s14 =	simm.s32 $0x400;
	[sflag:s28] =	ssyncadd.s32 $0xFFFFFFD8  }
0x119: {  	[tilespmem:s14], [sflag:$0x1] =	stream.indirect.gather [hbm4b:s1+s24], $0x80, s4, s24, $0xb8;
	[tilespmem:$0x1E000] =	vst v63  }
0x11a: {  	s2 =	simm.s32 $0x5400;
	s8 =	simm.s32 $0xA  }
0x11b: {  	[tilespmem:s2], [sflag:$0x5] =	stream.indirect.gather [hbm4b:s1+s24], $0x80, s22, s24, $0xb8;
	[tilespmem:$0x1E000] =	vst v63  }
0x11c: {  	_ =	swait.ge [sflag:s8], $0x28  }
0x11d: {  	[sflag:s8] =	ssyncset.done $0x0  }
0x11e: {  	s12 =	simm.s32 $0xE;
	[sflag:s8] =	ssyncadd.s32 $0xFFFFFFD8  }
0x11f: {  	_ =	swait.ge [sflag:s12], $0x28  }
0x120: {  	[sflag:s12] =	ssyncset.done $0x0  }
0x121: {  	s7 =	simm.s32 $0x80;
	s19 =	simm.s32 $0x1800;
	[sflag:s12] =	ssyncadd.s32 $0xFFFFFFD8  }
0x122: {  	[tilespmem:s19], [sflag:$0x2] =	stream.indirect.gather [hbm4b:s1+s24], $0x80, s7, s24, $0xb8;
	[tilespmem:$0x1E000] =	vst v63  }
0x123: {  	s29 =	simm.s32 $0x6800;
	s2 =	simm.s32 $0xB  }
0x124: {  	[tilespmem:s29], [sflag:$0x6] =	stream.indirect.gather [hbm4b:s1+s24], $0x80, s23, s24, $0xb8;
	[tilespmem:$0x1E000] =	vst v63  }
0x125: {  	_ =	swait.ge [sflag:s2], $0x28  }
0x126: {  	[sflag:s2] =	ssyncset.done $0x0  }
0x127: {  	s14 =	simm.s32 $0xF;
	[sflag:s2] =	ssyncadd.s32 $0xFFFFFFD8  }
0x128: {  	_ =	swait.ge [sflag:s14], $0x28  }
0x129: {  	[sflag:s14] =	ssyncset.done $0x0  }
0x12a: {  	s13 =	simm.s32 $0x100;
	s7 =	simm.s32 $0x2C00;
	[sflag:s14] =	ssyncadd.s32 $0xFFFFFFD8  }
0x12b: {  	[tilespmem:s7], [sflag:$0x3] =	stream.indirect.gather [hbm4b:s1+s24], $0x80, s13, s24, $0xb8;
	[tilespmem:$0x1E000] =	vst v63  }
0x12c: {  	s14 =	simm.s32 $0xC;
	s13 =	simm.s32 $0x7C00  }
0x12d: {  	[tilespmem:s13], [sflag:$0x7] =	stream.indirect.gather [hbm4b:s1+s24], $0x80, s9, s24, $0xb8;
	[tilespmem:$0x1E000] =	vst v63  }
0x12e: {  	_ =	swait.ge [sflag:s14], $0x28  }
0x12f: {  	[sflag:s14] =	ssyncset.done $0x0  }
0x130: {  	s19 =	simm.s32 $0x10;
	[sflag:s14] =	ssyncadd.s32 $0xFFFFFFD8  }
0x131: {  	_ =	swait.ge [sflag:s19], $0x28  }
0x132: {  	[sflag:s19] =	ssyncset.done $0x0  }
0x133: {  	s25 =	simm.s32 $0x180;
	s14 =	simm.s32 $0x4000;
	[sflag:s19] =	ssyncadd.s32 $0xFFFFFFD8  }
0x134: {  	[tilespmem:s14], [sflag:$0x4] =	stream.indirect.gather [hbm4b:s1+s24], $0x80, s25, s24, $0xb8;
	[tilespmem:$0x1E000] =	vst v63  }
0x135: {  	s19 =	simm.s32 $0x9000;
	s25 =	simm.s32 $0x1  }
0x136: {  	[tilespmem:s19], [sflag:$0x8] =	stream.indirect.gather [hbm4b:s1+s24], $0x80, s20, s24, $0xb8;
	[tilespmem:$0x1E000] =	vst v63  }
0x137: {  	_ =	swait.ge [sflag:s25], $0x1400  }
0x138: {  	[sflag:s25] =	ssyncset.done $0x0  }
0x139: {  	s26 =	simm.s32 $0x400;
	[sflag:s25] =	ssyncadd.s32 $0xFFFFEC00  }
0x13a: {  	[spmem:s3] =	stream.indirect.scatter.add.f32 [tilespmem:s26], [sflag:$0x11], $0x80, s22, s24, $0xb8;
	[tilespmem:$0x1E000] =	vst v63  }
0x13b: {  	s26 =	simm.s32 $0x5  }
0x13c: {  	_ =	swait.ge [sflag:s26], $0x1400  }
0x13d: {  	[sflag:s26] =	ssyncset.done $0x0  }
0x13e: {  	s30 =	simm.s32 $0x5400;
	[sflag:s26] =	ssyncadd.s32 $0xFFFFEC00  }
0x13f: {  	[spmem:s3] =	stream.indirect.scatter.add.f32 [tilespmem:s30], [sflag:$0x15], $0x80, s4, s24, $0xb8;
	[tilespmem:$0x1E000] =	vst v63  }
0x140: {  	s30 =	simm.s32 $0x2  }
0x141: {  	_ =	swait.ge [sflag:s30], $0x1400  }
0x142: {  	[sflag:s30] =	ssyncset.done $0x0  }
0x143: {  	s0 =	simm.s32 $0x1800;
	s2 =	simm.s32 $0x6;
	[sflag:s30] =	ssyncadd.s32 $0xFFFFEC00  }
0x144: {  	[spmem:s3] =	stream.indirect.scatter.add.f32 [tilespmem:s0], [sflag:$0x12], $0x80, s23, s24, $0xb8;
	[tilespmem:$0x1E000] =	vst v63  }
0x145: {  	_ =	swait.ge [sflag:s2], $0x1400  }
0x146: {  	[sflag:s2] =	ssyncset.done $0x0  }
0x147: {  	s29 =	simm.s32 $0x6800;
	s0 =	simm.s32 $0x80;
	[sflag:s2] =	ssyncadd.s32 $0xFFFFEC00  }
0x148: {  	[spmem:s3] =	stream.indirect.scatter.add.f32 [tilespmem:s29], [sflag:$0x16], $0x80, s0, s24, $0xb8;
	[tilespmem:$0x1E000] =	vst v63  }
0x149: {  	s29 =	simm.s32 $0x3  }
0x14a: {  	_ =	swait.ge [sflag:s29], $0x1400  }
0x14b: {  	[sflag:s29] =	ssyncset.done $0x0  }
0x14c: {  	[sflag:s29] =	ssyncadd.s32 $0xFFFFEC00  }
0x14d: {  	[spmem:s3] =	stream.indirect.scatter.add.f32 [tilespmem:s7], [sflag:$0x13], $0x80, s9, s24, $0xb8;
	[tilespmem:$0x1E000] =	vst v63  }
0x14e: {  	s7 =	simm.s32 $0x7  }
0x14f: {  	_ =	swait.ge [sflag:s7], $0x1400  }
0x150: {  	[sflag:s7] =	ssyncset.done $0x0  }
0x151: {  	s9 =	simm.s32 $0x100;
	[sflag:s7] =	ssyncadd.s32 $0xFFFFEC00  }
0x152: {  	[spmem:s3] =	stream.indirect.scatter.add.f32 [tilespmem:s13], [sflag:$0x17], $0x80, s9, s24, $0xb8;
	[tilespmem:$0x1E000] =	vst v63  }
0x153: {  	s13 =	simm.s32 $0x4  }
0x154: {  	_ =	swait.ge [sflag:s13], $0x1400  }
0x155: {  	[sflag:s13] =	ssyncset.done $0x0  }
0x156: {  	[sflag:s13] =	ssyncadd.s32 $0xFFFFEC00  }
0x157: {  	[spmem:s3] =	stream.indirect.scatter.add.f32 [tilespmem:s14], [sflag:$0x14], $0x80, s20, s24, $0xb8;
	[tilespmem:$0x1E000] =	vst v63  }
0x158: {  	_ =	swait.ge [sflag:s31], $0x1400  }
0x159: {  	[sflag:s31] =	ssyncset.done $0x0  }
0x15a: {  	s14 =	simm.s32 $0x180;
	[sflag:s31] =	ssyncadd.s32 $0xFFFFEC00  }
0x15b: {  	[spmem:s3] =	stream.indirect.scatter.add.f32 [tilespmem:s19], [sflag:$0x18], $0x80, s14, s24, $0xb8;
	[tilespmem:$0x1E000] =	vst v63  }
0x15c: {  	_ =	swait.ge [sflag:s5], $0x1400  }
0x15d: {  	[sflag:s5] =	ssyncset.done $0x0  }
0x15e: {  	[sflag:s5] =	ssyncadd.s32 $0xFFFFEC00  }
0x15f: {  	_ =	swait.ge [sflag:s6], $0x1400  }
0x160: {  	[sflag:s6] =	ssyncset.done $0x0  }
0x161: {  	[sflag:s6] =	ssyncadd.s32 $0xFFFFEC00  }
0x162: {  	_ =	swait.ge [sflag:s10], $0x1400  }
0x163: {  	[sflag:s10] =	ssyncset.done $0x0  }
0x164: {  	[sflag:s10] =	ssyncadd.s32 $0xFFFFEC00  }
0x165: {  	_ =	swait.ge [sflag:s11], $0x1400  }
0x166: {  	[sflag:s11] =	ssyncset.done $0x0  }
0x167: {  	[sflag:s11] =	ssyncadd.s32 $0xFFFFEC00  }
0x168: {  	_ =	swait.ge [sflag:s15], $0x1400  }
0x169: {  	[sflag:s15] =	ssyncset.done $0x0  }
0x16a: {  	[sflag:s15] =	ssyncadd.s32 $0xFFFFEC00  }
0x16b: {  	_ =	swait.ge [sflag:s16], $0x1400  }
0x16c: {  	[sflag:s16] =	ssyncset.done $0x0  }
0x16d: {  	[sflag:s16] =	ssyncadd.s32 $0xFFFFEC00  }
0x16e: {  	_ =	swait.ge [sflag:s17], $0x1400  }
0x16f: {  	[sflag:s17] =	ssyncset.done $0x0  }
0x170: {  	[sflag:s17] =	ssyncadd.s32 $0xFFFFEC00  }
0x171: {  	_ =	swait.ge [sflag:s18], $0x1400  }
0x172: {  	[sflag:s18] =	ssyncset.done $0x0  }
0x173: {  	s20 =	rddreg [dreg:$0x10];
	[sflag:s18] =	ssyncadd.s32 $0xFFFFEC00  }
0x174: {  	[tilespmem:s4], [sflag:$0x9] =	stream.linear.gather [hbm4b:s20+s4], $0x28, $0x38;
	[tilespmem:$0x1E000] =	vst v63  }
0x175: {  	s29 =	rddreg [dreg:$0x11]  }
0x176: {  	[tilespmem:s22], [sflag:$0xD] =	stream.linear.gather [hbm4b:s29+s4], $0x28, $0x38;
	[tilespmem:$0x1E000] =	vst v63  }
0x177: {  	s7 =	simm.s32 $0x80;
	s0 =	rddreg [dreg:$0x12]  }
0x178: {  	[tilespmem:s7], [sflag:$0xA] =	stream.linear.gather [hbm4b:s0+s4], $0x28, $0x38;
	[tilespmem:$0x1E000] =	vst v63  }
0x179: {  	s9 =	rddreg [dreg:$0x13]  }
0x17a: {  	[tilespmem:s23], [sflag:$0xE] =	stream.linear.gather [hbm4b:s9+s4], $0x28, $0x38;
	[tilespmem:$0x1E000] =	vst v63  }
0x17b: {  	_ =	swait.ge [sflag:s21], $0x28  }
0x17c: {  	[sflag:s21] =	ssyncset.done $0x0  }
0x17d: {  	[sflag:s21] =	ssyncadd.s32 $0xFFFFFFD8  }
0x17e: {  	_ =	swait.ge [sflag:s28], $0x28  }
0x17f: {  	[sflag:s28] =	ssyncset.done $0x0  }
0x180: {  	s13 =	simm.s32 $0x400;
	[sflag:s28] =	ssyncadd.s32 $0xFFFFFFD8  }
0x181: {  	[tilespmem:s13], [sflag:$0x1] =	stream.indirect.gather [hbm4b:s1+s24], $0x80, s4, s24, $0xb8;
	[tilespmem:$0x1E000] =	vst v63  }
0x182: {  	s14 =	simm.s32 $0x5400  }
0x183: {  	[tilespmem:s14], [sflag:$0x5] =	stream.indirect.gather [hbm4b:s1+s24], $0x80, s22, s24, $0xb8;
	[tilespmem:$0x1E000] =	vst v63  }
0x184: {  	_ =	swait.ge [sflag:s8], $0x28  }
0x185: {  	[sflag:s8] =	ssyncset.done $0x0  }
0x186: {  	[sflag:s8] =	ssyncadd.s32 $0xFFFFFFD8  }
0x187: {  	_ =	swait.ge [sflag:s12], $0x28  }
0x188: {  	[sflag:s12] =	ssyncset.done $0x0  }
0x189: {  	s19 =	simm.s32 $0x1800;
	[sflag:s12] =	ssyncadd.s32 $0xFFFFFFD8  }
0x18a: {  	[tilespmem:s19], [sflag:$0x2] =	stream.indirect.gather [hbm4b:s1+s24], $0x80, s7, s24, $0xb8;
	[tilespmem:$0x1E000] =	vst v63  }
0x18b: {  	s21 =	simm.s32 $0x6800  }
0x18c: {  	[tilespmem:s21], [sflag:$0x6] =	stream.indirect.gather [hbm4b:s1+s24], $0x80, s23, s24, $0xb8;
	[tilespmem:$0x1E000] =	vst v63  }
0x18d: {  	_ =	swait.ge [sflag:s25], $0x1400  }
0x18e: {  	[sflag:s25] =	ssyncset.done $0x0  }
0x18f: {  	[sflag:s25] =	ssyncadd.s32 $0xFFFFEC00  }
0x190: {  	[spmem:s3] =	stream.indirect.scatter.add.f32 [tilespmem:s13], [sflag:$0x11], $0x80, s22, s24, $0xb8;
	[tilespmem:$0x1E000] =	vst v63  }
0x191: {  	_ =	swait.ge [sflag:s26], $0x1400  }
0x192: {  	[sflag:s26] =	ssyncset.done $0x0  }
0x193: {  	[sflag:s26] =	ssyncadd.s32 $0xFFFFEC00  }
0x194: {  	[spmem:s3] =	stream.indirect.scatter.add.f32 [tilespmem:s14], [sflag:$0x15], $0x80, s4, s24, $0xb8;
	[tilespmem:$0x1E000] =	vst v63  }
0x195: {  	_ =	swait.ge [sflag:s30], $0x1400  }
0x196: {  	[sflag:s30] =	ssyncset.done $0x0  }
0x197: {  	[sflag:s30] =	ssyncadd.s32 $0xFFFFEC00  }
0x198: {  	[spmem:s3] =	stream.indirect.scatter.add.f32 [tilespmem:s19], [sflag:$0x12], $0x80, s23, s24, $0xb8;
	[tilespmem:$0x1E000] =	vst v63  }
0x199: {  	_ =	swait.ge [sflag:s2], $0x1400  }
0x19a: {  	[sflag:s2] =	ssyncset.done $0x0  }
0x19b: {  	s20 =	simm.s32 $0x80;
	[sflag:s2] =	ssyncadd.s32 $0xFFFFEC00  }
0x19c: {  	[spmem:s3] =	stream.indirect.scatter.add.f32 [tilespmem:s21], [sflag:$0x16], $0x80, s20, s24, $0xb8;
	[tilespmem:$0x1E000] =	vst v63  }
0x19d: {  	_ =	swait.ge [sflag:s5], $0x1400  }
0x19e: {  	[sflag:s5] =	ssyncset.done $0x0  }
0x19f: {  	[sflag:s5] =	ssyncadd.s32 $0xFFFFEC00  }
0x1a0: {  	_ =	swait.ge [sflag:s6], $0x1400  }
0x1a1: {  	[sflag:s6] =	ssyncset.done $0x0  }
0x1a2: {  	[sflag:s6] =	ssyncadd.s32 $0xFFFFEC00  }
0x1a3: {  	_ =	swait.ge [sflag:s10], $0x1400  }
0x1a4: {  	[sflag:s10] =	ssyncset.done $0x0  }
0x1a5: {  	[sflag:s10] =	ssyncadd.s32 $0xFFFFEC00  }
0x1a6: {  	_ =	swait.ge [sflag:s11], $0x1400  }
0x1a7: {  	[sflag:s11] =	ssyncset.done $0x0  }
0x1a8: {  	[sflag:s11] =	ssyncadd.s32 $0xFFFFEC00  }
0x1a9: {  	[bflag:$0x0] =	sbarrier.arrive $0xFFFF  }
0x1aa: {  	s20 =	rddreg [dreg:$0xf]  }
0x1ab: {  	s26 =	rddreg [dreg:$0x14]  }
0x1ac: {  	s21 =	simm.s32 $0x19;
	s28 =	rddreg [dreg:$0x17]  }
0x1ad: {  	[hbm:s26], [sflag:s20] =	dma.local [spmem:s28], $0x2780  }
0x1ae: {  	_ =	swait.ge [sflag:s21], $0x2780  }
0x1af: {  	s29 =	rddreg [dreg:$0x16]  }
0x1b0: {  	s30 =	rddreg [dreg:$0x15];
	s0 =	sadd.s32 $0x1, s29  }
0x1b1: {  	p0 =	sne.s32 s0, s30  }
.Ltmp1:
0x1b2: {  	_ = 	snop;
	(pc) =	sbr.rel @p0 .LBB2_1-.Ltmp1, $3  }
0x1b3: {  	_ =	sdelay $0x1  }
0x1b4: {  	[sflag:s21] =	ssyncset.done $0x0  }
0x1b5: {  	[sflag:s21] =	ssyncadd.s32 $0xFFFFD880  }
0x1b6: {  	_ =	sfence.sel $0x180000  }
0x1b7: {  	[bflag:$0x0] =	sbarrier.arrive $0xFFFF  }
0x1b8: {  	_ =	strace $0x90000047  }
0x1b9: {  	s0 =	stileid.u32;
	[bflag:$0x2] =	sbarrier.arrive $0xFFFF  }
0x1ba: {  	p0 =	sne.s32 s0, $0x0;
	s0 =	rddreg [dreg:$0x4]  }
0x1bb: {  	s0 =	sadd.s32 @!p0 $0x100000, s0  }
0x1bc: {  	[sflag:s0] =	ssyncadd.tile.s32 @!p0 $0x1;
	_ =	shalt  }
.Lfunc_end2:
_tile_overlayer_lowered:
.L_overlay_start_2:
0x1bd: {  	(tag) =	ssettag $0x2  }
0x1be: {  	s0 =	rddreg [dreg:$0x0];
	s2 =	stileid.u32  }
0x1bf: {  	s1 =	rddreg [dreg:$0x1];
	p0 =	sne.s32 s2, $0x0  }
0x1c0: {  	s3 =	rddreg [dreg:$0x2];
	[bflag:$0x3] =	sbarrier.arrive $0xFFFF;
	s2 =	simm.s32 @!p0 $0x1C19  }
0x1c1: {  	[timem:s3], [sflag:s2] =	dma.local @!p0 [hbm:s0], s1  }
0x1c2: {  	s0 =	simm.s32 @!p0 $0x19  }
0x1c3: {  	_ =	swait.ge @!p0 [sflag:s0], s1  }
0x1c4: {  	s1 =	ssub.s32 @!p0 $0x0, s1;
	[sflag:s0] =	ssyncset.done @!p0 $0x0  }
0x1c5: {  	[sflag:s0] =	ssyncadd.s32 @!p0 s1  }
0x1c6: {  	[bflag:$0x3] =	sbarrier.arrive $0xFFFF  }
0x1c7: {  	_ =	shalt  }

</sc_bundles>
